<compile_context>
chip_gen: v7x
topology: tpu7x:2x2x1
jax: 0.10.2.dev20260603
libtpu: 0.0.44.dev20260713+nightly
codegen_flags: <defaults>
</compile_context>

<pallas_src>
import jax
import jax.numpy as jnp
from jax import lax
from jax.experimental import pallas as pl
from jax.experimental.pallas import tpu as pltpu
from jax.experimental.pallas import tpu_sc as plsc

_INTERVAL_SIZE = 8
_I_FRAME_POSITION = 3
_THRESHOLD = 50.0
_PATCH_NUM = 196
_NUM_FRAMES = 32
_IMG_START = 64
_IMG_LEN = _PATCH_NUM * _NUM_FRAMES
_ROWS_PER_INTERVAL = _PATCH_NUM * _INTERVAL_SIZE
_SEQ_LEN = 6400
_D_MODEL = 4096
_PRE = 128
_LANES = 16
_CROWS = 8
_NCHUNKS_TOTAL = _SEQ_LEN // _CROWS
_NWORKERS = 32
_CPW = _NCHUNKS_TOTAL // _NWORKERS
_IPRE_ROWS = 200
_IMG_CHUNK0 = _IMG_START // _CROWS
_IMG_CHUNK_END = (_IMG_START + _IMG_LEN) // _CROWS


def _lanesum(v):
    for sh in (8, 4, 2, 1):
        idx = lax.iota(jnp.int32, 16) ^ sh
        v = v + jnp.take(v, idx)
    return v


def _sc_body(x_hbm, out_hbm, ipre, cb0, cb1, iw, ivstate, sem_r, sem_w, sem_i):
    cid = lax.axis_index("c")
    sid = lax.axis_index("s")
    w = sid * 2 + cid
    lo = _CPW * w

    ivstate[0] = -1

    def _row0(c):
        return pl.multiple_of(_CROWS * (lo + c), 8)

    def _read(c, buf):
        return pltpu.make_async_copy(x_hbm.at[pl.ds(_row0(c), _CROWS)], buf, sem_r)

    def _write(c, buf):
        return pltpu.make_async_copy(buf, out_hbm.at[pl.ds(_row0(c), _CROWS)], sem_w)

    _read(0, cb0).start()

    def _process(c, cur):
        cg = lo + c
        is_img = jnp.logical_and(cg >= _IMG_CHUNK0, cg < _IMG_CHUNK_END)

        @pl.when(is_img)
        def _image_chunk():
            iv = (_CROWS * cg - _IMG_START) // _ROWS_PER_INTERVAL
            ipre_r0 = pl.multiple_of(
                _IMG_START
                + _PATCH_NUM * (iv * _INTERVAL_SIZE + _I_FRAME_POSITION)
                - 4,
                8,
            )

            @pl.when(ivstate[0] != iv)
            def _load_ipre():
                pltpu.sync_copy(
                    x_hbm.at[pl.ds(ipre_r0, _IPRE_ROWS), pl.ds(0, _PRE)], ipre
                )
                ivstate[0] = iv

            rel0 = _CROWS * cg - _IMG_START - _ROWS_PER_INTERVAL * iv

            def _row(r8, carry):
                rel = rel0 + r8
                fin = rel // _PATCH_NUM
                p = rel % _PATCH_NUM
                acc = jnp.zeros((_LANES,), jnp.float32)
                for k in range(_PRE // _LANES):
                    xv = cur[r8, pl.ds(k * _LANES, _LANES)]
                    iv_ = ipre[4 + p, pl.ds(k * _LANES, _LANES)]
                    acc = acc + jnp.abs(xv - iv_)
                partial = _lanesum(acc)[0]
                undecided = jnp.logical_and(
                    partial < _THRESHOLD, fin != _I_FRAME_POSITION
                )

                @pl.when(undecided)
                def _full_check():
                    ig = ipre_r0 + 4 + p
                    iga = pl.multiple_of((ig // 8) * 8, 8)
                    ig8 = ig - iga
                    pltpu.make_async_copy(x_hbm.at[pl.ds(iga, 8)], iw, sem_i).start()
                    pltpu.make_async_copy(x_hbm.at[pl.ds(iga, 8)], iw, sem_i).wait()

                    def _chunk_sad(k, a):
                        xv = cur[r8, pl.ds(k * _LANES, _LANES)]
                        ivv = iw[ig8, pl.ds(k * _LANES, _LANES)]
                        return a + jnp.abs(xv - ivv)

                    acc2 = lax.fori_loop(
                        0,
                        _D_MODEL // _LANES,
                        _chunk_sad,
                        jnp.zeros((_LANES,), jnp.float32),
                    )
                    sad = _lanesum(acc2)[0]

                    @pl.when(sad < _THRESHOLD)
                    def _substitute():
                        def _copy_chunk(k, cc):
                            cur[r8, pl.ds(k * _LANES, _LANES)] = iw[
                                ig8, pl.ds(k * _LANES, _LANES)
                            ]
                            return cc

                        lax.fori_loop(0, _D_MODEL // _LANES, _copy_chunk, 0)

                return carry

            lax.fori_loop(0, _CROWS, _row, 0)

    def _do_chunk(c, cur, other):
        _read(c, cur).wait()

        @pl.when(c > 0)
        def _drain_prev_write():
            _write(c - 1, other).wait()

        @pl.when(c + 1 < _CPW)
        def _prefetch():
            _read(c + 1, other).start()

        _process(c, cur)
        _write(c, cur).start()

    def _chunk_step(c, carry):
        @pl.when(c % 2 == 0)
        def _even():
            _do_chunk(c, cb0, cb1)

        @pl.when(c % 2 == 1)
        def _odd():
            _do_chunk(c, cb1, cb0)

        return carry

    lax.fori_loop(0, _CPW, _chunk_step, 0)
    _write(_CPW - 1, cb0).wait()


def kernel(hidden_states):
    x = hidden_states[0]
    mesh = plsc.VectorSubcoreMesh(core_axis_name="c", subcore_axis_name="s")
    out = pl.kernel(
        _sc_body,
        out_type=jax.ShapeDtypeStruct((_SEQ_LEN, _D_MODEL), jnp.float32),
        mesh=mesh,
        scratch_types=[
            pltpu.VMEM((_IPRE_ROWS, _PRE), jnp.float32),
            pltpu.VMEM((_CROWS, _D_MODEL), jnp.float32),
            pltpu.VMEM((_CROWS, _D_MODEL), jnp.float32),
            pltpu.VMEM((8, _D_MODEL), jnp.float32),
            pltpu.SMEM((1,), jnp.int32),
            pltpu.SemaphoreType.DMA,
            pltpu.SemaphoreType.DMA,
            pltpu.SemaphoreType.DMA,
        ],
    )(x)
    return out[None]

# --- scband reference (transcript-rebuilt; emitter-appended) ---
"""Pipeline reference for scband-cmc-38276748542205 (READ-ONLY COPY).

The authoritative reference and input builder live on the scoring server;
editing this copy changes nothing except your own understanding.
"""

import jax, jax.numpy as jnp
import numpy as np

INTERVAL_SIZE = 8
I_FRAME_POSITION = 3
THRESHOLD = 50.0
PATCH_H = 14
PATCH_W = 14
PATCH_NUM = PATCH_H * PATCH_W  # 196
NUM_FRAMES = 32
IMG_START = 64
IMG_LEN = PATCH_NUM * NUM_FRAMES  # 6272
SEQ_LEN = 6400
D_MODEL = 4096


def setup_inputs(seed: int = 0) -> dict:
    key = jax.random.key(seed)
    hidden_states = jax.random.normal(key, (1, SEQ_LEN, D_MODEL), dtype=jnp.float32)
    return {"hidden_states": hidden_states}


def reference(hidden_states):
    # CMC.forward, multi_head=False path, simplified=True semantics.
    # Equivalent to prepare() (detect_non_informative on the image-token region)
    # followed by approximate_non_informative (gather I-frame tokens, scatter into
    # the non-informative positions of the hidden states).
    bsz, seq_len, d = hidden_states.shape
    image_tokens = hidden_states[0, IMG_START:IMG_START + IMG_LEN, :]
    image_tokens = image_tokens.reshape(-1, PATCH_NUM, d)  # [num_frames, patch_num, d]
    num_frames = IMG_LEN // PATCH_NUM
    num_intervals = (num_frames + INTERVAL_SIZE - 1) // INTERVAL_SIZE
    pad = (-num_frames) % INTERVAL_SIZE  # pad_to_multiple_of along frame dim
    it = jnp.pad(image_tokens, ((0, pad), (0, 0), (0, 0)))
    F_pad = num_frames + pad
    I_frame_idx = jnp.arange(I_FRAME_POSITION, F_pad, INTERVAL_SIZE)
    I_frames = jnp.take(it, I_frame_idx, axis=0)  # [num_intervals, patch_num, d] (gather)
    I_exp = jnp.broadcast_to(I_frames[:, None], (num_intervals, INTERVAL_SIZE, PATCH_NUM, d))
    I_exp = I_exp.reshape(-1, PATCH_NUM, d)  # [F_pad, patch_num, d]
    # simplified branch: per-token SAD vs the same patch position in the I-frame
    SAD = jnp.sum(jnp.abs(it - I_exp), axis=-1)  # [F_pad, patch_num]
    min_position = jnp.broadcast_to(jnp.arange(PATCH_NUM)[None, :], (F_pad, PATCH_NUM))
    mask_non_informative = SAD < THRESHOLD
    # approximate_non_informative: gather I-frame token at min_position and
    # overwrite masked (non-informative) tokens.
    idx = jnp.broadcast_to(min_position[:, :, None], I_exp.shape)
    gathered = jnp.take_along_axis(I_exp, idx, axis=1)
    approx = jnp.where(mask_non_informative[:, :, None], gathered, it)
    approx = approx[:num_frames].reshape(IMG_LEN, d)
    out = hidden_states.at[0, IMG_START:IMG_START + IMG_LEN, :].set(approx)
    return out

if __name__ == "__main__":
    import jax
    _d = setup_inputs()
    print(jax.jit(kernel)(*tuple(_d.values())))

</pallas_src>

<mosaic_0001>
#map = affine_map<(d0, d1) -> (0, 0)>
module attributes {stable_mosaic.version = 14 : i64} {
  func.func @_sc_body(%arg0: i32, %arg1: i32, %arg2: memref<6400x4096xf32, #tpu.memory_space<hbm>>, %arg3: memref<6400x4096xf32, #tpu.memory_space<hbm>>, %arg4: memref<200x128xf32, #tpu.memory_space<vmem>>, %arg5: memref<8x4096xf32, #tpu.memory_space<vmem>>, %arg6: memref<8x4096xf32, #tpu.memory_space<vmem>>, %arg7: memref<8x4096xf32, #tpu.memory_space<vmem>>, %arg8: memref<1xi32, #tpu.memory_space<smem>>, %arg9: memref<!tpu.dma_semaphore, #tpu.memory_space<semaphore_mem>>, %arg10: memref<!tpu.dma_semaphore, #tpu.memory_space<semaphore_mem>>, %arg11: memref<!tpu.dma_semaphore, #tpu.memory_space<semaphore_mem>>) attributes {dimension_semantics = [#tpu.dimension_semantics<core_parallel>, #tpu.dimension_semantics<subcore_parallel>], iteration_bounds = array<i64: 2, 16>, scalar_prefetch = 0 : i64, scratch_operands = 8 : i64, tpu.core_type = #tpu.core_type<sc_vector_subcore>, window_params = [{transform_indices = #map}, {transform_indices = #map}]} {
    %mul3A = arith.constant 2 : i32
    %mul3A_0 = arith.muli %arg1, %mul3A : i32
    %add3A = arith.addi %mul3A_0, %arg0 : i32
    %mul3A_1 = arith.constant 25 : i32
    %mul3A_2 = arith.muli %mul3A_1, %add3A : i32
    %swap3A = arith.constant -1 : i32
    %swap3A_3 = arith.constant 0 : i32
    %swap3A_4 = arith.index_cast %swap3A_3 : i32 to index
    %swap3A_5 = memref.load %arg8[%swap3A_4] : memref<1xi32, #tpu.memory_space<smem>>
    memref.store %swap3A, %arg8[%swap3A_4] : memref<1xi32, #tpu.memory_space<smem>>
    %add3A_6 = arith.constant 0 : i32
    %add3A_7 = arith.addi %mul3A_2, %add3A_6 : i32
    %mul3A_8 = arith.constant 8 : i32
    %mul3A_9 = arith.muli %mul3A_8, %add3A_7 : i32
    %multiple_of3A = tpu.assume_multiple %mul3A_9, 8 : i32
    %dma_start3A = arith.constant 0 : i32
    %dma_start3A_10 = tpu.memref_slice %arg2[%multiple_of3A, %dma_start3A] : memref<6400x4096xf32, #tpu.memory_space<hbm>> -> memref<8x4096xf32, #tpu.memory_space<hbm>>
    %dma_start3A_11 = arith.constant 0 : i32
    %dma_start3A_12 = tpu.memref_slice %arg2[%multiple_of3A, %dma_start3A_11] : memref<6400x4096xf32, #tpu.memory_space<hbm>> -> memref<8x4096xf32, #tpu.memory_space<hbm>>
    tpu.enqueue_dma source(%dma_start3A_12 : memref<8x4096xf32, #tpu.memory_space<hbm>>) target(%arg5 : memref<8x4096xf32, #tpu.memory_space<vmem>>) target_semaphore(%arg9 : memref<!tpu.dma_semaphore, #tpu.memory_space<semaphore_mem>>)
    %scan3A = arith.constant 0 : i32
    %scan3A_13 = arith.constant 0 : i32
    %scan3A_14 = arith.constant 25 : i32
    %scan3A_15 = arith.addi %scan3A_13, %scan3A_14 : i32
    %scan3A_16 = arith.constant 1 : i32
    scf.for %scan3A_26 = %scan3A_13 to %scan3A_15 step %scan3A_16  : i32 {
      %jit3A = arith.constant 2 : i32
      %eq3A = arith.constant 0 : i32
      %eq3A_27 = arith.cmpi eq, %jit3A, %eq3A : i32
      %jit3A_28 = arith.constant 1 : i32
      %select_n3A = arith.select %eq3A_27, %jit3A_28, %jit3A : i32
      %rem3A = arith.remsi %scan3A_26, %select_n3A : i32
      %ne3A = arith.constant 0 : i32
      %ne3A_29 = arith.cmpi ne, %rem3A, %ne3A : i32
      %lt3A = arith.constant 0 : i32
      %lt3A_30 = arith.cmpi slt, %rem3A, %lt3A : i32
      %lt3A_31 = arith.constant 0 : i32
      %lt3A_32 = arith.cmpi slt, %select_n3A, %lt3A_31 : i32
      %ne3A_33 = arith.xori %lt3A_30, %lt3A_32 : i1
      %and3A = arith.andi %ne3A_33, %ne3A_29 : i1
      %add3A_34 = arith.addi %rem3A, %select_n3A : i32
      %select_n3A_35 = arith.select %and3A, %add3A_34, %rem3A : i32
      %eq3A_36 = arith.constant 0 : i32
      %eq3A_37 = arith.cmpi eq, %select_n3A_35, %eq3A_36 : i32
      %convert_element_type3A = arith.extui %eq3A_37 : i1 to i32
      %cond3A = arith.constant 0 : i32
      %cond3A_38 = arith.cmpi ne, %convert_element_type3A, %cond3A : i32
      scf.if %cond3A_38 {
        %add3A_60 = arith.addi %mul3A_2, %scan3A_26 : i32
        %mul3A_61 = arith.constant 8 : i32
        %mul3A_62 = arith.muli %mul3A_61, %add3A_60 : i32
        %multiple_of3A_63 = tpu.assume_multiple %mul3A_62, 8 : i32
        %dma_wait3A_64 = arith.constant 0 : i32
        %dma_wait3A_65 = tpu.memref_slice %arg2[%multiple_of3A_63, %dma_wait3A_64] : memref<6400x4096xf32, #tpu.memory_space<hbm>> -> memref<8x4096xf32, #tpu.memory_space<hbm>>
        %dma_wait3A_66 = arith.constant 0 : i32
        %dma_wait3A_67 = tpu.memref_slice %arg2[%multiple_of3A_63, %dma_wait3A_66] : memref<6400x4096xf32, #tpu.memory_space<hbm>> -> memref<8x4096xf32, #tpu.memory_space<hbm>>
        tpu.wait_dma2 semaphore(%arg9 : memref<!tpu.dma_semaphore, #tpu.memory_space<semaphore_mem>>) src(%dma_wait3A_67 : memref<8x4096xf32, #tpu.memory_space<hbm>>) dst(%arg5 : memref<8x4096xf32, #tpu.memory_space<vmem>>)
        %gt3A = arith.constant 0 : i32
        %gt3A_68 = arith.cmpi sgt, %scan3A_26, %gt3A : i32
        %convert_element_type3A_69 = arith.extui %gt3A_68 : i1 to i32
        %cond3A_70 = arith.constant 0 : i32
        %cond3A_71 = arith.cmpi ne, %convert_element_type3A_69, %cond3A_70 : i32
        scf.if %cond3A_71 {
          %sub3A = arith.constant 1 : i32
          %sub3A_95 = arith.subi %scan3A_26, %sub3A : i32
          %add3A_96 = arith.addi %mul3A_2, %sub3A_95 : i32
          %mul3A_97 = arith.constant 8 : i32
          %mul3A_98 = arith.muli %mul3A_97, %add3A_96 : i32
          %multiple_of3A_99 = tpu.assume_multiple %mul3A_98, 8 : i32
          %dma_wait3A_100 = arith.constant 0 : i32
          %dma_wait3A_101 = tpu.memref_slice %arg3[%multiple_of3A_99, %dma_wait3A_100] : memref<6400x4096xf32, #tpu.memory_space<hbm>> -> memref<8x4096xf32, #tpu.memory_space<hbm>>
          %dma_wait3A_102 = arith.constant 0 : i32
          %dma_wait3A_103 = tpu.memref_slice %arg3[%multiple_of3A_99, %dma_wait3A_102] : memref<6400x4096xf32, #tpu.memory_space<hbm>> -> memref<8x4096xf32, #tpu.memory_space<hbm>>
          tpu.wait_dma2 semaphore(%arg10 : memref<!tpu.dma_semaphore, #tpu.memory_space<semaphore_mem>>) src(%arg6 : memref<8x4096xf32, #tpu.memory_space<vmem>>) dst(%dma_wait3A_103 : memref<8x4096xf32, #tpu.memory_space<hbm>>)
        } else {
        }
        %add3A_72 = arith.constant 1 : i32
        %add3A_73 = arith.addi %scan3A_26, %add3A_72 : i32
        %lt3A_74 = arith.constant 25 : i32
        %lt3A_75 = arith.cmpi slt, %add3A_73, %lt3A_74 : i32
        %convert_element_type3A_76 = arith.extui %lt3A_75 : i1 to i32
        %cond3A_77 = arith.constant 0 : i32
        %cond3A_78 = arith.cmpi ne, %convert_element_type3A_76, %cond3A_77 : i32
        scf.if %cond3A_78 {
          %add3A_95 = arith.constant 1 : i32
          %add3A_96 = arith.addi %scan3A_26, %add3A_95 : i32
          %add3A_97 = arith.addi %mul3A_2, %add3A_96 : i32
          %mul3A_98 = arith.constant 8 : i32
          %mul3A_99 = arith.muli %mul3A_98, %add3A_97 : i32
          %multiple_of3A_100 = tpu.assume_multiple %mul3A_99, 8 : i32
          %dma_start3A_101 = arith.constant 0 : i32
          %dma_start3A_102 = tpu.memref_slice %arg2[%multiple_of3A_100, %dma_start3A_101] : memref<6400x4096xf32, #tpu.memory_space<hbm>> -> memref<8x4096xf32, #tpu.memory_space<hbm>>
          %dma_start3A_103 = arith.constant 0 : i32
          %dma_start3A_104 = tpu.memref_slice %arg2[%multiple_of3A_100, %dma_start3A_103] : memref<6400x4096xf32, #tpu.memory_space<hbm>> -> memref<8x4096xf32, #tpu.memory_space<hbm>>
          tpu.enqueue_dma source(%dma_start3A_104 : memref<8x4096xf32, #tpu.memory_space<hbm>>) target(%arg6 : memref<8x4096xf32, #tpu.memory_space<vmem>>) target_semaphore(%arg9 : memref<!tpu.dma_semaphore, #tpu.memory_space<semaphore_mem>>)
        } else {
        }
        %add3A_79 = arith.addi %mul3A_2, %scan3A_26 : i32
        %ge3A = arith.constant 8 : i32
        %ge3A_80 = arith.cmpi sge, %add3A_79, %ge3A : i32
        %lt3A_81 = arith.constant 792 : i32
        %lt3A_82 = arith.cmpi slt, %add3A_79, %lt3A_81 : i32
        %and3A_83 = arith.andi %ge3A_80, %lt3A_82 : i1
        %convert_element_type3A_84 = arith.extui %and3A_83 : i1 to i32
        %cond3A_85 = arith.constant 0 : i32
        %cond3A_86 = arith.cmpi ne, %convert_element_type3A_84, %cond3A_85 : i32
        scf.if %cond3A_86 {
          %mul3A_95 = arith.constant 8 : i32
          %mul3A_96 = arith.muli %mul3A_95, %add3A_79 : i32
          %sub3A = arith.constant 64 : i32
          %sub3A_97 = arith.subi %mul3A_96, %sub3A : i32
          %jit3A_98 = arith.constant 1568 : i32
          %div3A = arith.divsi %sub3A_97, %jit3A_98 : i32
          %sign3A = arith.constant 0 : i32
          %sign3A_99 = arith.cmpi sgt, %sub3A_97, %sign3A : i32
          %sign3A_100 = arith.extui %sign3A_99 : i1 to i32
          %sign3A_101 = arith.constant 0 : i32
          %sign3A_102 = arith.cmpi slt, %sub3A_97, %sign3A_101 : i32
          %sign3A_103 = arith.extui %sign3A_102 : i1 to i32
          %sign3A_104 = arith.subi %sign3A_100, %sign3A_103 : i32
          %sign3A_105 = arith.constant 0 : i32
          %sign3A_106 = arith.cmpi sgt, %jit3A_98, %sign3A_105 : i32
          %sign3A_107 = arith.extui %sign3A_106 : i1 to i32
          %sign3A_108 = arith.constant 0 : i32
          %sign3A_109 = arith.cmpi slt, %jit3A_98, %sign3A_108 : i32
          %sign3A_110 = arith.extui %sign3A_109 : i1 to i32
          %sign3A_111 = arith.subi %sign3A_107, %sign3A_110 : i32
          %ne3A_112 = arith.cmpi ne, %sign3A_104, %sign3A_111 : i32
          %rem3A_113 = arith.remsi %sub3A_97, %jit3A_98 : i32
          %ne3A_114 = arith.constant 0 : i32
          %ne3A_115 = arith.cmpi ne, %rem3A_113, %ne3A_114 : i32
          %and3A_116 = arith.andi %ne3A_112, %ne3A_115 : i1
          %sub3A_117 = arith.constant 1 : i32
          %sub3A_118 = arith.subi %div3A, %sub3A_117 : i32
          %select_n3A_119 = arith.select %and3A_116, %sub3A_118, %div3A : i32
          %mul3A_120 = arith.constant 8 : i32
          %mul3A_121 = arith.muli %select_n3A_119, %mul3A_120 : i32
          %add3A_122 = arith.constant 3 : i32
          %add3A_123 = arith.addi %mul3A_121, %add3A_122 : i32
          %mul3A_124 = arith.constant 196 : i32
          %mul3A_125 = arith.muli %mul3A_124, %add3A_123 : i32
          %add3A_126 = arith.constant 64 : i32
          %add3A_127 = arith.addi %add3A_126, %mul3A_125 : i32
          %sub3A_128 = arith.constant 4 : i32
          %sub3A_129 = arith.subi %add3A_127, %sub3A_128 : i32
          %multiple_of3A_130 = tpu.assume_multiple %sub3A_129, 8 : i32
          %get3A = arith.constant 0 : i32
          %get3A_131 = arith.index_cast %get3A : i32 to index
          %get3A_132 = memref.load %arg8[%get3A_131] : memref<1xi32, #tpu.memory_space<smem>>
          %ne3A_133 = arith.cmpi ne, %get3A_132, %select_n3A_119 : i32
          %convert_element_type3A_134 = arith.extui %ne3A_133 : i1 to i32
          %cond3A_135 = arith.constant 0 : i32
          %cond3A_136 = arith.cmpi ne, %convert_element_type3A_134, %cond3A_135 : i32
          scf.if %cond3A_136 {
            "tpu.region"() ({
              %run_scoped3A = tpu.sem_alloc : memref<!tpu.dma_semaphore, #tpu.memory_space<semaphore_mem>>
              %dma_start3A_153 = arith.constant 0 : i32
              %dma_start3A_154 = tpu.memref_slice %arg2[%multiple_of3A_130, %dma_start3A_153] : memref<6400x4096xf32, #tpu.memory_space<hbm>> -> memref<200x128xf32, #tpu.memory_space<hbm>>
              %dma_start3A_155 = arith.constant 0 : i32
              %dma_start3A_156 = tpu.memref_slice %arg2[%multiple_of3A_130, %dma_start3A_155] : memref<6400x4096xf32, #tpu.memory_space<hbm>> -> memref<200x128xf32, #tpu.memory_space<hbm>>
              tpu.enqueue_dma source(%dma_start3A_156 : memref<200x128xf32, #tpu.memory_space<hbm>>) target(%arg4 : memref<200x128xf32, #tpu.memory_space<vmem>>) target_semaphore(%run_scoped3A : memref<!tpu.dma_semaphore, #tpu.memory_space<semaphore_mem>>)
              %dma_wait3A_157 = arith.constant 0 : i32
              %dma_wait3A_158 = tpu.memref_slice %arg2[%multiple_of3A_130, %dma_wait3A_157] : memref<6400x4096xf32, #tpu.memory_space<hbm>> -> memref<200x128xf32, #tpu.memory_space<hbm>>
              %dma_wait3A_159 = arith.constant 0 : i32
              %dma_wait3A_160 = tpu.memref_slice %arg2[%multiple_of3A_130, %dma_wait3A_159] : memref<6400x4096xf32, #tpu.memory_space<hbm>> -> memref<200x128xf32, #tpu.memory_space<hbm>>
              tpu.wait_dma2 semaphore(%run_scoped3A : memref<!tpu.dma_semaphore, #tpu.memory_space<semaphore_mem>>) src(%dma_wait3A_160 : memref<200x128xf32, #tpu.memory_space<hbm>>) dst(%arg4 : memref<200x128xf32, #tpu.memory_space<vmem>>)
              tpu.yield
            }) : () -> ()
            %swap3A_150 = arith.constant 0 : i32
            %swap3A_151 = arith.index_cast %swap3A_150 : i32 to index
            %swap3A_152 = memref.load %arg8[%swap3A_151] : memref<1xi32, #tpu.memory_space<smem>>
            memref.store %select_n3A_119, %arg8[%swap3A_151] : memref<1xi32, #tpu.memory_space<smem>>
          } else {
          }
          %mul3A_137 = arith.constant 8 : i32
          %mul3A_138 = arith.muli %mul3A_137, %add3A_79 : i32
          %sub3A_139 = arith.constant 64 : i32
          %sub3A_140 = arith.subi %mul3A_138, %sub3A_139 : i32
          %mul3A_141 = arith.constant 1568 : i32
          %mul3A_142 = arith.muli %mul3A_141, %select_n3A_119 : i32
          %sub3A_143 = arith.subi %sub3A_140, %mul3A_142 : i32
          %scan3A_144 = arith.constant 0 : i32
          %scan3A_145 = arith.constant 0 : i32
          %scan3A_146 = arith.constant 8 : i32
          %scan3A_147 = arith.addi %scan3A_145, %scan3A_146 : i32
          %scan3A_148 = arith.constant 1 : i32
          scf.for %scan3A_150 = %scan3A_145 to %scan3A_147 step %scan3A_148  : i32 {
            %add3A_151 = arith.addi %sub3A_143, %scan3A_150 : i32
            %jit3A_152 = arith.constant 196 : i32
            %div3A_153 = arith.divsi %add3A_151, %jit3A_152 : i32
            %sign3A_154 = arith.constant 0 : i32
            %sign3A_155 = arith.cmpi sgt, %add3A_151, %sign3A_154 : i32
            %sign3A_156 = arith.extui %sign3A_155 : i1 to i32
            %sign3A_157 = arith.constant 0 : i32
            %sign3A_158 = arith.cmpi slt, %add3A_151, %sign3A_157 : i32
            %sign3A_159 = arith.extui %sign3A_158 : i1 to i32
            %sign3A_160 = arith.subi %sign3A_156, %sign3A_159 : i32
            %sign3A_161 = arith.constant 0 : i32
            %sign3A_162 = arith.cmpi sgt, %jit3A_152, %sign3A_161 : i32
            %sign3A_163 = arith.extui %sign3A_162 : i1 to i32
            %sign3A_164 = arith.constant 0 : i32
            %sign3A_165 = arith.cmpi slt, %jit3A_152, %sign3A_164 : i32
            %sign3A_166 = arith.extui %sign3A_165 : i1 to i32
            %sign3A_167 = arith.subi %sign3A_163, %sign3A_166 : i32
            %ne3A_168 = arith.cmpi ne, %sign3A_160, %sign3A_167 : i32
            %rem3A_169 = arith.remsi %add3A_151, %jit3A_152 : i32
            %ne3A_170 = arith.constant 0 : i32
            %ne3A_171 = arith.cmpi ne, %rem3A_169, %ne3A_170 : i32
            %and3A_172 = arith.andi %ne3A_168, %ne3A_171 : i1
            %sub3A_173 = arith.constant 1 : i32
            %sub3A_174 = arith.subi %div3A_153, %sub3A_173 : i32
            %select_n3A_175 = arith.select %and3A_172, %sub3A_174, %div3A_153 : i32
            %jit3A_176 = arith.constant 196 : i32
            %eq3A_177 = arith.constant 0 : i32
            %eq3A_178 = arith.cmpi eq, %jit3A_176, %eq3A_177 : i32
            %jit3A_179 = arith.constant 1 : i32
            %select_n3A_180 = arith.select %eq3A_178, %jit3A_179, %jit3A_176 : i32
            %rem3A_181 = arith.remsi %add3A_151, %select_n3A_180 : i32
            %ne3A_182 = arith.constant 0 : i32
            %ne3A_183 = arith.cmpi ne, %rem3A_181, %ne3A_182 : i32
            %lt3A_184 = arith.constant 0 : i32
            %lt3A_185 = arith.cmpi slt, %rem3A_181, %lt3A_184 : i32
            %lt3A_186 = arith.constant 0 : i32
            %lt3A_187 = arith.cmpi slt, %select_n3A_180, %lt3A_186 : i32
            %ne3A_188 = arith.xori %lt3A_185, %lt3A_187 : i1
            %and3A_189 = arith.andi %ne3A_188, %ne3A_183 : i1
            %add3A_190 = arith.addi %rem3A_181, %select_n3A_180 : i32
            %select_n3A_191 = arith.select %and3A_189, %add3A_190, %rem3A_181 : i32
            %broadcast_in_dim3A = arith.constant 0.000000e+00 : f32
            %broadcast_in_dim3A_192 = vector.broadcast %broadcast_in_dim3A : f32 to vector<16xf32>
            %get3A_193 = arith.index_cast %scan3A_150 : i32 to index
            %get3A_194 = arith.constant 0 : index
            %get3A_195 = tpu.vector_load %arg5[%get3A_193, %get3A_194] {strides = array<i32>} : memref<8x4096xf32, #tpu.memory_space<vmem>>, vector<1x16xf32>,
            %get3A_196 = vector.shape_cast %get3A_195 : vector<1x16xf32> to vector<16xf32>
            %add3A_197 = arith.constant 4 : i32
            %add3A_198 = arith.addi %add3A_197, %select_n3A_191 : i32
            %get3A_199 = arith.index_cast %add3A_198 : i32 to index
            %get3A_200 = arith.constant 0 : index
            %get3A_201 = tpu.vector_load %arg4[%get3A_199, %get3A_200] {strides = array<i32>} : memref<200x128xf32, #tpu.memory_space<vmem>>, vector<1x16xf32>,
            %get3A_202 = vector.shape_cast %get3A_201 : vector<1x16xf32> to vector<16xf32>
            %sub3A_203 = arith.subf %get3A_196, %get3A_202 : vector<16xf32>
            %abs3A = math.absf %sub3A_203 : vector<16xf32>
            %add3A_204 = arith.addf %broadcast_in_dim3A_192, %abs3A : vector<16xf32>
            %get3A_205 = arith.index_cast %scan3A_150 : i32 to index
            %get3A_206 = arith.constant 16 : index
            %get3A_207 = tpu.vector_load %arg5[%get3A_205, %get3A_206] {strides = array<i32>} : memref<8x4096xf32, #tpu.memory_space<vmem>>, vector<1x16xf32>,
            %get3A_208 = vector.shape_cast %get3A_207 : vector<1x16xf32> to vector<16xf32>
            %add3A_209 = arith.constant 4 : i32
            %add3A_210 = arith.addi %add3A_209, %select_n3A_191 : i32
            %get3A_211 = arith.index_cast %add3A_210 : i32 to index
            %get3A_212 = arith.constant 16 : index
            %get3A_213 = tpu.vector_load %arg4[%get3A_211, %get3A_212] {strides = array<i32>} : memref<200x128xf32, #tpu.memory_space<vmem>>, vector<1x16xf32>,
            %get3A_214 = vector.shape_cast %get3A_213 : vector<1x16xf32> to vector<16xf32>
            %sub3A_215 = arith.subf %get3A_208, %get3A_214 : vector<16xf32>
            %abs3A_216 = math.absf %sub3A_215 : vector<16xf32>
            %add3A_217 = arith.addf %add3A_204, %abs3A_216 : vector<16xf32>
            %get3A_218 = arith.index_cast %scan3A_150 : i32 to index
            %get3A_219 = arith.constant 32 : index
            %get3A_220 = tpu.vector_load %arg5[%get3A_218, %get3A_219] {strides = array<i32>} : memref<8x4096xf32, #tpu.memory_space<vmem>>, vector<1x16xf32>,
            %get3A_221 = vector.shape_cast %get3A_220 : vector<1x16xf32> to vector<16xf32>
            %add3A_222 = arith.constant 4 : i32
            %add3A_223 = arith.addi %add3A_222, %select_n3A_191 : i32
            %get3A_224 = arith.index_cast %add3A_223 : i32 to index
            %get3A_225 = arith.constant 32 : index
            %get3A_226 = tpu.vector_load %arg4[%get3A_224, %get3A_225] {strides = array<i32>} : memref<200x128xf32, #tpu.memory_space<vmem>>, vector<1x16xf32>,
            %get3A_227 = vector.shape_cast %get3A_226 : vector<1x16xf32> to vector<16xf32>
            %sub3A_228 = arith.subf %get3A_221, %get3A_227 : vector<16xf32>
            %abs3A_229 = math.absf %sub3A_228 : vector<16xf32>
            %add3A_230 = arith.addf %add3A_217, %abs3A_229 : vector<16xf32>
            %get3A_231 = arith.index_cast %scan3A_150 : i32 to index
            %get3A_232 = arith.constant 48 : index
            %get3A_233 = tpu.vector_load %arg5[%get3A_231, %get3A_232] {strides = array<i32>} : memref<8x4096xf32, #tpu.memory_space<vmem>>, vector<1x16xf32>,
            %get3A_234 = vector.shape_cast %get3A_233 : vector<1x16xf32> to vector<16xf32>
            %add3A_235 = arith.constant 4 : i32
            %add3A_236 = arith.addi %add3A_235, %select_n3A_191 : i32
            %get3A_237 = arith.index_cast %add3A_236 : i32 to index
            %get3A_238 = arith.constant 48 : index
            %get3A_239 = tpu.vector_load %arg4[%get3A_237, %get3A_238] {strides = array<i32>} : memref<200x128xf32, #tpu.memory_space<vmem>>, vector<1x16xf32>,
            %get3A_240 = vector.shape_cast %get3A_239 : vector<1x16xf32> to vector<16xf32>
            %sub3A_241 = arith.subf %get3A_234, %get3A_240 : vector<16xf32>
            %abs3A_242 = math.absf %sub3A_241 : vector<16xf32>
            %add3A_243 = arith.addf %add3A_230, %abs3A_242 : vector<16xf32>
            %get3A_244 = arith.index_cast %scan3A_150 : i32 to index
            %get3A_245 = arith.constant 64 : index
            %get3A_246 = tpu.vector_load %arg5[%get3A_244, %get3A_245] {strides = array<i32>} : memref<8x4096xf32, #tpu.memory_space<vmem>>, vector<1x16xf32>,
            %get3A_247 = vector.shape_cast %get3A_246 : vector<1x16xf32> to vector<16xf32>
            %add3A_248 = arith.constant 4 : i32
            %add3A_249 = arith.addi %add3A_248, %select_n3A_191 : i32
            %get3A_250 = arith.index_cast %add3A_249 : i32 to index
            %get3A_251 = arith.constant 64 : index
            %get3A_252 = tpu.vector_load %arg4[%get3A_250, %get3A_251] {strides = array<i32>} : memref<200x128xf32, #tpu.memory_space<vmem>>, vector<1x16xf32>,
            %get3A_253 = vector.shape_cast %get3A_252 : vector<1x16xf32> to vector<16xf32>
            %sub3A_254 = arith.subf %get3A_247, %get3A_253 : vector<16xf32>
            %abs3A_255 = math.absf %sub3A_254 : vector<16xf32>
            %add3A_256 = arith.addf %add3A_243, %abs3A_255 : vector<16xf32>
            %get3A_257 = arith.index_cast %scan3A_150 : i32 to index
            %get3A_258 = arith.constant 80 : index
            %get3A_259 = tpu.vector_load %arg5[%get3A_257, %get3A_258] {strides = array<i32>} : memref<8x4096xf32, #tpu.memory_space<vmem>>, vector<1x16xf32>,
            %get3A_260 = vector.shape_cast %get3A_259 : vector<1x16xf32> to vector<16xf32>
            %add3A_261 = arith.constant 4 : i32
            %add3A_262 = arith.addi %add3A_261, %select_n3A_191 : i32
            %get3A_263 = arith.index_cast %add3A_262 : i32 to index
            %get3A_264 = arith.constant 80 : index
            %get3A_265 = tpu.vector_load %arg4[%get3A_263, %get3A_264] {strides = array<i32>} : memref<200x128xf32, #tpu.memory_space<vmem>>, vector<1x16xf32>,
            %get3A_266 = vector.shape_cast %get3A_265 : vector<1x16xf32> to vector<16xf32>
            %sub3A_267 = arith.subf %get3A_260, %get3A_266 : vector<16xf32>
            %abs3A_268 = math.absf %sub3A_267 : vector<16xf32>
            %add3A_269 = arith.addf %add3A_256, %abs3A_268 : vector<16xf32>
            %get3A_270 = arith.index_cast %scan3A_150 : i32 to index
            %get3A_271 = arith.constant 96 : index
            %get3A_272 = tpu.vector_load %arg5[%get3A_270, %get3A_271] {strides = array<i32>} : memref<8x4096xf32, #tpu.memory_space<vmem>>, vector<1x16xf32>,
            %get3A_273 = vector.shape_cast %get3A_272 : vector<1x16xf32> to vector<16xf32>
            %add3A_274 = arith.constant 4 : i32
            %add3A_275 = arith.addi %add3A_274, %select_n3A_191 : i32
            %get3A_276 = arith.index_cast %add3A_275 : i32 to index
            %get3A_277 = arith.constant 96 : index
            %get3A_278 = tpu.vector_load %arg4[%get3A_276, %get3A_277] {strides = array<i32>} : memref<200x128xf32, #tpu.memory_space<vmem>>, vector<1x16xf32>,
            %get3A_279 = vector.shape_cast %get3A_278 : vector<1x16xf32> to vector<16xf32>
            %sub3A_280 = arith.subf %get3A_273, %get3A_279 : vector<16xf32>
            %abs3A_281 = math.absf %sub3A_280 : vector<16xf32>
            %add3A_282 = arith.addf %add3A_269, %abs3A_281 : vector<16xf32>
            %get3A_283 = arith.index_cast %scan3A_150 : i32 to index
            %get3A_284 = arith.constant 112 : index
            %get3A_285 = tpu.vector_load %arg5[%get3A_283, %get3A_284] {strides = array<i32>} : memref<8x4096xf32, #tpu.memory_space<vmem>>, vector<1x16xf32>,
            %get3A_286 = vector.shape_cast %get3A_285 : vector<1x16xf32> to vector<16xf32>
            %add3A_287 = arith.constant 4 : i32
            %add3A_288 = arith.addi %add3A_287, %select_n3A_191 : i32
            %get3A_289 = arith.index_cast %add3A_288 : i32 to index
            %get3A_290 = arith.constant 112 : index
            %get3A_291 = tpu.vector_load %arg4[%get3A_289, %get3A_290] {strides = array<i32>} : memref<200x128xf32, #tpu.memory_space<vmem>>, vector<1x16xf32>,
            %get3A_292 = vector.shape_cast %get3A_291 : vector<1x16xf32> to vector<16xf32>
            %sub3A_293 = arith.subf %get3A_286, %get3A_292 : vector<16xf32>
            %abs3A_294 = math.absf %sub3A_293 : vector<16xf32>
            %add3A_295 = arith.addf %add3A_282, %abs3A_294 : vector<16xf32>
            %iota3A = tpu.iota {dimensions = array<i32: 0>} : vector<16xi32>
            %xor3A = arith.constant 8 : i32
            %xor3A_296 = vector.broadcast %xor3A : i32 to vector<16xi32>
            %xor3A_297 = arith.xori %iota3A, %xor3A_296 : vector<16xi32>
            %lt3A_298 = arith.constant 0 : i32
            %lt3A_299 = vector.broadcast %lt3A_298 : i32 to vector<16xi32>
            %lt3A_300 = arith.cmpi slt, %xor3A_297, %lt3A_299 : vector<16xi32>
            %add3A_301 = arith.constant 16 : i32
            %add3A_302 = vector.broadcast %add3A_301 : i32 to vector<16xi32>
            %add3A_303 = arith.addi %xor3A_297, %add3A_302 : vector<16xi32>
            %select_n3A_304 = arith.select %lt3A_300, %add3A_303, %xor3A_297 : vector<16xi1>, vector<16xi32>
            %broadcast_in_dim3A_305 = vector.shape_cast %select_n3A_304 : vector<16xi32> to vector<16x1xi32>
            %gather3A = vector.shape_cast %broadcast_in_dim3A_305 : vector<16x1xi32> to vector<16xi32>
            %gather3A_306 = tpu.dynamic_gather %add3A_295[%gather3A] in [0] : vector<16xf32>, vector<16xi32> -> vector<16xf32>
            %add3A_307 = arith.addf %add3A_295, %gather3A_306 : vector<16xf32>
            %iota3A_308 = tpu.iota {dimensions = array<i32: 0>} : vector<16xi32>
            %xor3A_309 = arith.constant 4 : i32
            %xor3A_310 = vector.broadcast %xor3A_309 : i32 to vector<16xi32>
            %xor3A_311 = arith.xori %iota3A_308, %xor3A_310 : vector<16xi32>
            %lt3A_312 = arith.constant 0 : i32
            %lt3A_313 = vector.broadcast %lt3A_312 : i32 to vector<16xi32>
            %lt3A_314 = arith.cmpi slt, %xor3A_311, %lt3A_313 : vector<16xi32>
            %add3A_315 = arith.constant 16 : i32
            %add3A_316 = vector.broadcast %add3A_315 : i32 to vector<16xi32>
            %add3A_317 = arith.addi %xor3A_311, %add3A_316 : vector<16xi32>
            %select_n3A_318 = arith.select %lt3A_314, %add3A_317, %xor3A_311 : vector<16xi1>, vector<16xi32>
            %broadcast_in_dim3A_319 = vector.shape_cast %select_n3A_318 : vector<16xi32> to vector<16x1xi32>
            %gather3A_320 = vector.shape_cast %broadcast_in_dim3A_319 : vector<16x1xi32> to vector<16xi32>
            %gather3A_321 = tpu.dynamic_gather %add3A_307[%gather3A_320] in [0] : vector<16xf32>, vector<16xi32> -> vector<16xf32>
            %add3A_322 = arith.addf %add3A_307, %gather3A_321 : vector<16xf32>
            %iota3A_323 = tpu.iota {dimensions = array<i32: 0>} : vector<16xi32>
            %xor3A_324 = arith.constant 2 : i32
            %xor3A_325 = vector.broadcast %xor3A_324 : i32 to vector<16xi32>
            %xor3A_326 = arith.xori %iota3A_323, %xor3A_325 : vector<16xi32>
            %lt3A_327 = arith.constant 0 : i32
            %lt3A_328 = vector.broadcast %lt3A_327 : i32 to vector<16xi32>
            %lt3A_329 = arith.cmpi slt, %xor3A_326, %lt3A_328 : vector<16xi32>
            %add3A_330 = arith.constant 16 : i32
            %add3A_331 = vector.broadcast %add3A_330 : i32 to vector<16xi32>
            %add3A_332 = arith.addi %xor3A_326, %add3A_331 : vector<16xi32>
            %select_n3A_333 = arith.select %lt3A_329, %add3A_332, %xor3A_326 : vector<16xi1>, vector<16xi32>
            %broadcast_in_dim3A_334 = vector.shape_cast %select_n3A_333 : vector<16xi32> to vector<16x1xi32>
            %gather3A_335 = vector.shape_cast %broadcast_in_dim3A_334 : vector<16x1xi32> to vector<16xi32>
            %gather3A_336 = tpu.dynamic_gather %add3A_322[%gather3A_335] in [0] : vector<16xf32>, vector<16xi32> -> vector<16xf32>
            %add3A_337 = arith.addf %add3A_322, %gather3A_336 : vector<16xf32>
            %iota3A_338 = tpu.iota {dimensions = array<i32: 0>} : vector<16xi32>
            %xor3A_339 = arith.constant 1 : i32
            %xor3A_340 = vector.broadcast %xor3A_339 : i32 to vector<16xi32>
            %xor3A_341 = arith.xori %iota3A_338, %xor3A_340 : vector<16xi32>
            %lt3A_342 = arith.constant 0 : i32
            %lt3A_343 = vector.broadcast %lt3A_342 : i32 to vector<16xi32>
            %lt3A_344 = arith.cmpi slt, %xor3A_341, %lt3A_343 : vector<16xi32>
            %add3A_345 = arith.constant 16 : i32
            %add3A_346 = vector.broadcast %add3A_345 : i32 to vector<16xi32>
            %add3A_347 = arith.addi %xor3A_341, %add3A_346 : vector<16xi32>
            %select_n3A_348 = arith.select %lt3A_344, %add3A_347, %xor3A_341 : vector<16xi1>, vector<16xi32>
            %broadcast_in_dim3A_349 = vector.shape_cast %select_n3A_348 : vector<16xi32> to vector<16x1xi32>
            %gather3A_350 = vector.shape_cast %broadcast_in_dim3A_349 : vector<16x1xi32> to vector<16xi32>
            %gather3A_351 = tpu.dynamic_gather %add3A_337[%gather3A_350] in [0] : vector<16xf32>, vector<16xi32> -> vector<16xf32>
            %add3A_352 = arith.addf %add3A_337, %gather3A_351 : vector<16xf32>
            %slice3A = vector.extract_strided_slice %add3A_352 {offsets = [0], sizes = [1], strides = [1]} : vector<16xf32> to vector<1xf32>
            %squeeze3A = vector.extract %slice3A[0] : f32 from vector<1xf32>
            %lt3A_353 = arith.constant 5.000000e+01 : f32
            %lt3A_354 = arith.cmpf olt, %squeeze3A, %lt3A_353 : f32
            %ne3A_355 = arith.constant 3 : i32
            %ne3A_356 = arith.cmpi ne, %select_n3A_175, %ne3A_355 : i32
            %and3A_357 = arith.andi %lt3A_354, %ne3A_356 : i1
            %convert_element_type3A_358 = arith.extui %and3A_357 : i1 to i32
            %cond3A_359 = arith.constant 0 : i32
            %cond3A_360 = arith.cmpi ne, %convert_element_type3A_358, %cond3A_359 : i32
            scf.if %cond3A_360 {
              %add3A_361 = arith.constant 4 : i32
              %add3A_362 = arith.addi %multiple_of3A_130, %add3A_361 : i32
              %add3A_363 = arith.addi %add3A_362, %select_n3A_191 : i32
              %jit3A_364 = arith.constant 8 : i32
              %div3A_365 = arith.divsi %add3A_363, %jit3A_364 : i32
              %sign3A_366 = arith.constant 0 : i32
              %sign3A_367 = arith.cmpi sgt, %add3A_363, %sign3A_366 : i32
              %sign3A_368 = arith.extui %sign3A_367 : i1 to i32
              %sign3A_369 = arith.constant 0 : i32
              %sign3A_370 = arith.cmpi slt, %add3A_363, %sign3A_369 : i32
              %sign3A_371 = arith.extui %sign3A_370 : i1 to i32
              %sign3A_372 = arith.subi %sign3A_368, %sign3A_371 : i32
              %sign3A_373 = arith.constant 0 : i32
              %sign3A_374 = arith.cmpi sgt, %jit3A_364, %sign3A_373 : i32
              %sign3A_375 = arith.extui %sign3A_374 : i1 to i32
              %sign3A_376 = arith.constant 0 : i32
              %sign3A_377 = arith.cmpi slt, %jit3A_364, %sign3A_376 : i32
              %sign3A_378 = arith.extui %sign3A_377 : i1 to i32
              %sign3A_379 = arith.subi %sign3A_375, %sign3A_378 : i32
              %ne3A_380 = arith.cmpi ne, %sign3A_372, %sign3A_379 : i32
              %rem3A_381 = arith.remsi %add3A_363, %jit3A_364 : i32
              %ne3A_382 = arith.constant 0 : i32
              %ne3A_383 = arith.cmpi ne, %rem3A_381, %ne3A_382 : i32
              %and3A_384 = arith.andi %ne3A_380, %ne3A_383 : i1
              %sub3A_385 = arith.constant 1 : i32
              %sub3A_386 = arith.subi %div3A_365, %sub3A_385 : i32
              %select_n3A_387 = arith.select %and3A_384, %sub3A_386, %div3A_365 : i32
              %mul3A_388 = arith.constant 8 : i32
              %mul3A_389 = arith.muli %select_n3A_387, %mul3A_388 : i32
              %multiple_of3A_390 = tpu.assume_multiple %mul3A_389, 8 : i32
              %sub3A_391 = arith.subi %add3A_363, %multiple_of3A_390 : i32
              %dma_start3A_392 = arith.constant 0 : i32
              %dma_start3A_393 = tpu.memref_slice %arg2[%multiple_of3A_390, %dma_start3A_392] : memref<6400x4096xf32, #tpu.memory_space<hbm>> -> memref<8x4096xf32, #tpu.memory_space<hbm>>
              %dma_start3A_394 = arith.constant 0 : i32
              %dma_start3A_395 = tpu.memref_slice %arg2[%multiple_of3A_390, %dma_start3A_394] : memref<6400x4096xf32, #tpu.memory_space<hbm>> -> memref<8x4096xf32, #tpu.memory_space<hbm>>
              tpu.enqueue_dma source(%dma_start3A_395 : memref<8x4096xf32, #tpu.memory_space<hbm>>) target(%arg7 : memref<8x4096xf32, #tpu.memory_space<vmem>>) target_semaphore(%arg11 : memref<!tpu.dma_semaphore, #tpu.memory_space<semaphore_mem>>)
              %dma_wait3A_396 = arith.constant 0 : i32
              %dma_wait3A_397 = tpu.memref_slice %arg2[%multiple_of3A_390, %dma_wait3A_396] : memref<6400x4096xf32, #tpu.memory_space<hbm>> -> memref<8x4096xf32, #tpu.memory_space<hbm>>
              %dma_wait3A_398 = arith.constant 0 : i32
              %dma_wait3A_399 = tpu.memref_slice %arg2[%multiple_of3A_390, %dma_wait3A_398] : memref<6400x4096xf32, #tpu.memory_space<hbm>> -> memref<8x4096xf32, #tpu.memory_space<hbm>>
              tpu.wait_dma2 semaphore(%arg11 : memref<!tpu.dma_semaphore, #tpu.memory_space<semaphore_mem>>) src(%dma_wait3A_399 : memref<8x4096xf32, #tpu.memory_space<hbm>>) dst(%arg7 : memref<8x4096xf32, #tpu.memory_space<vmem>>)
              %broadcast_in_dim3A_400 = arith.constant 0.000000e+00 : f32
              %broadcast_in_dim3A_401 = vector.broadcast %broadcast_in_dim3A_400 : f32 to vector<16xf32>
              %scan3A_402 = arith.constant 0 : i32
              %scan3A_403 = arith.constant 256 : i32
              %scan3A_404 = arith.addi %scan3A_402, %scan3A_403 : i32
              %scan3A_405 = arith.constant 1 : i32
              %scan3A_406 = scf.for %scan3A_475 = %scan3A_402 to %scan3A_404 step %scan3A_405 iter_args(%scan3A_476 = %broadcast_in_dim3A_401) -> (vector<16xf32>)  : i32 {
                %mul3A_477 = arith.constant 16 : i32
                %mul3A_478 = arith.muli %scan3A_475, %mul3A_477 : i32
                %get3A_479 = arith.index_cast %scan3A_150 : i32 to index
                %get3A_480 = arith.index_cast %mul3A_478 : i32 to index
                %get3A_481 = tpu.vector_load %arg5[%get3A_479, %get3A_480] {strides = array<i32>} : memref<8x4096xf32, #tpu.memory_space<vmem>>, vector<1x16xf32>,
                %get3A_482 = vector.shape_cast %get3A_481 : vector<1x16xf32> to vector<16xf32>
                %mul3A_483 = arith.constant 16 : i32
                %mul3A_484 = arith.muli %scan3A_475, %mul3A_483 : i32
                %get3A_485 = arith.index_cast %sub3A_391 : i32 to index
                %get3A_486 = arith.index_cast %mul3A_484 : i32 to index
                %get3A_487 = tpu.vector_load %arg7[%get3A_485, %get3A_486] {strides = array<i32>} : memref<8x4096xf32, #tpu.memory_space<vmem>>, vector<1x16xf32>,
                %get3A_488 = vector.shape_cast %get3A_487 : vector<1x16xf32> to vector<16xf32>
                %sub3A_489 = arith.subf %get3A_482, %get3A_488 : vector<16xf32>
                %abs3A_490 = math.absf %sub3A_489 : vector<16xf32>
                %add3A_491 = arith.addf %scan3A_476, %abs3A_490 : vector<16xf32>
                scf.yield %add3A_491 : vector<16xf32>
              }
              %scan3A_407 = arith.constant 256 : i32
              %iota3A_408 = tpu.iota {dimensions = array<i32: 0>} : vector<16xi32>
              %xor3A_409 = arith.constant 8 : i32
              %xor3A_410 = vector.broadcast %xor3A_409 : i32 to vector<16xi32>
              %xor3A_411 = arith.xori %iota3A_408, %xor3A_410 : vector<16xi32>
              %lt3A_412 = arith.constant 0 : i32
              %lt3A_413 = vector.broadcast %lt3A_412 : i32 to vector<16xi32>
              %lt3A_414 = arith.cmpi slt, %xor3A_411, %lt3A_413 : vector<16xi32>
              %add3A_415 = arith.constant 16 : i32
              %add3A_416 = vector.broadcast %add3A_415 : i32 to vector<16xi32>
              %add3A_417 = arith.addi %xor3A_411, %add3A_416 : vector<16xi32>
              %select_n3A_418 = arith.select %lt3A_414, %add3A_417, %xor3A_411 : vector<16xi1>, vector<16xi32>
              %broadcast_in_dim3A_419 = vector.shape_cast %select_n3A_418 : vector<16xi32> to vector<16x1xi32>
              %gather3A_420 = vector.shape_cast %broadcast_in_dim3A_419 : vector<16x1xi32> to vector<16xi32>
              %gather3A_421 = tpu.dynamic_gather %scan3A_406[%gather3A_420] in [0] : vector<16xf32>, vector<16xi32> -> vector<16xf32>
              %add3A_422 = arith.addf %scan3A_406, %gather3A_421 : vector<16xf32>
              %iota3A_423 = tpu.iota {dimensions = array<i32: 0>} : vector<16xi32>
              %xor3A_424 = arith.constant 4 : i32
              %xor3A_425 = vector.broadcast %xor3A_424 : i32 to vector<16xi32>
              %xor3A_426 = arith.xori %iota3A_423, %xor3A_425 : vector<16xi32>
              %lt3A_427 = arith.constant 0 : i32
              %lt3A_428 = vector.broadcast %lt3A_427 : i32 to vector<16xi32>
              %lt3A_429 = arith.cmpi slt, %xor3A_426, %lt3A_428 : vector<16xi32>
              %add3A_430 = arith.constant 16 : i32
              %add3A_431 = vector.broadcast %add3A_430 : i32 to vector<16xi32>
              %add3A_432 = arith.addi %xor3A_426, %add3A_431 : vector<16xi32>
              %select_n3A_433 = arith.select %lt3A_429, %add3A_432, %xor3A_426 : vector<16xi1>, vector<16xi32>
              %broadcast_in_dim3A_434 = vector.shape_cast %select_n3A_433 : vector<16xi32> to vector<16x1xi32>
              %gather3A_435 = vector.shape_cast %broadcast_in_dim3A_434 : vector<16x1xi32> to vector<16xi32>
              %gather3A_436 = tpu.dynamic_gather %add3A_422[%gather3A_435] in [0] : vector<16xf32>, vector<16xi32> -> vector<16xf32>
              %add3A_437 = arith.addf %add3A_422, %gather3A_436 : vector<16xf32>
              %iota3A_438 = tpu.iota {dimensions = array<i32: 0>} : vector<16xi32>
              %xor3A_439 = arith.constant 2 : i32
              %xor3A_440 = vector.broadcast %xor3A_439 : i32 to vector<16xi32>
              %xor3A_441 = arith.xori %iota3A_438, %xor3A_440 : vector<16xi32>
              %lt3A_442 = arith.constant 0 : i32
              %lt3A_443 = vector.broadcast %lt3A_442 : i32 to vector<16xi32>
              %lt3A_444 = arith.cmpi slt, %xor3A_441, %lt3A_443 : vector<16xi32>
              %add3A_445 = arith.constant 16 : i32
              %add3A_446 = vector.broadcast %add3A_445 : i32 to vector<16xi32>
              %add3A_447 = arith.addi %xor3A_441, %add3A_446 : vector<16xi32>
              %select_n3A_448 = arith.select %lt3A_444, %add3A_447, %xor3A_441 : vector<16xi1>, vector<16xi32>
              %broadcast_in_dim3A_449 = vector.shape_cast %select_n3A_448 : vector<16xi32> to vector<16x1xi32>
              %gather3A_450 = vector.shape_cast %broadcast_in_dim3A_449 : vector<16x1xi32> to vector<16xi32>
              %gather3A_451 = tpu.dynamic_gather %add3A_437[%gather3A_450] in [0] : vector<16xf32>, vector<16xi32> -> vector<16xf32>
              %add3A_452 = arith.addf %add3A_437, %gather3A_451 : vector<16xf32>
              %iota3A_453 = tpu.iota {dimensions = array<i32: 0>} : vector<16xi32>
              %xor3A_454 = arith.constant 1 : i32
              %xor3A_455 = vector.broadcast %xor3A_454 : i32 to vector<16xi32>
              %xor3A_456 = arith.xori %iota3A_453, %xor3A_455 : vector<16xi32>
              %lt3A_457 = arith.constant 0 : i32
              %lt3A_458 = vector.broadcast %lt3A_457 : i32 to vector<16xi32>
              %lt3A_459 = arith.cmpi slt, %xor3A_456, %lt3A_458 : vector<16xi32>
              %add3A_460 = arith.constant 16 : i32
              %add3A_461 = vector.broadcast %add3A_460 : i32 to vector<16xi32>
              %add3A_462 = arith.addi %xor3A_456, %add3A_461 : vector<16xi32>
              %select_n3A_463 = arith.select %lt3A_459, %add3A_462, %xor3A_456 : vector<16xi1>, vector<16xi32>
              %broadcast_in_dim3A_464 = vector.shape_cast %select_n3A_463 : vector<16xi32> to vector<16x1xi32>
              %gather3A_465 = vector.shape_cast %broadcast_in_dim3A_464 : vector<16x1xi32> to vector<16xi32>
              %gather3A_466 = tpu.dynamic_gather %add3A_452[%gather3A_465] in [0] : vector<16xf32>, vector<16xi32> -> vector<16xf32>
              %add3A_467 = arith.addf %add3A_452, %gather3A_466 : vector<16xf32>
              %slice3A_468 = vector.extract_strided_slice %add3A_467 {offsets = [0], sizes = [1], strides = [1]} : vector<16xf32> to vector<1xf32>
              %squeeze3A_469 = vector.extract %slice3A_468[0] : f32 from vector<1xf32>
              %lt3A_470 = arith.constant 5.000000e+01 : f32
              %lt3A_471 = arith.cmpf olt, %squeeze3A_469, %lt3A_470 : f32
              %convert_element_type3A_472 = arith.extui %lt3A_471 : i1 to i32
              %cond3A_473 = arith.constant 0 : i32
              %cond3A_474 = arith.cmpi ne, %convert_element_type3A_472, %cond3A_473 : i32
              scf.if %cond3A_474 {
                %scan3A_475 = arith.constant 0 : i32
                %scan3A_476 = arith.constant 0 : i32
                %scan3A_477 = arith.constant 256 : i32
                %scan3A_478 = arith.addi %scan3A_476, %scan3A_477 : i32
                %scan3A_479 = arith.constant 1 : i32
                scf.for %scan3A_481 = %scan3A_476 to %scan3A_478 step %scan3A_479  : i32 {
                  %mul3A_482 = arith.constant 16 : i32
                  %mul3A_483 = arith.muli %scan3A_481, %mul3A_482 : i32
                  %get3A_484 = arith.index_cast %sub3A_391 : i32 to index
                  %get3A_485 = arith.index_cast %mul3A_483 : i32 to index
                  %get3A_486 = tpu.vector_load %arg7[%get3A_484, %get3A_485] {strides = array<i32>} : memref<8x4096xf32, #tpu.memory_space<vmem>>, vector<1x16xf32>,
                  %get3A_487 = vector.shape_cast %get3A_486 : vector<1x16xf32> to vector<16xf32>
                  %mul3A_488 = arith.constant 16 : i32
                  %mul3A_489 = arith.muli %scan3A_481, %mul3A_488 : i32
                  %swap3A_490 = arith.index_cast %scan3A_150 : i32 to index
                  %swap3A_491 = arith.index_cast %mul3A_489 : i32 to index
                  %swap3A_492 = tpu.vector_load %arg5[%swap3A_490, %swap3A_491] {strides = array<i32>} : memref<8x4096xf32, #tpu.memory_space<vmem>>, vector<1x16xf32>,
                  %swap3A_493 = vector.shape_cast %swap3A_492 : vector<1x16xf32> to vector<16xf32>
                  %swap3A_494 = vector.shape_cast %get3A_487 : vector<16xf32> to vector<1x16xf32>
                  tpu.vector_store %arg5[%swap3A_490, %swap3A_491], %swap3A_494 {strides = array<i32>} : memref<8x4096xf32, #tpu.memory_space<vmem>>, vector<1x16xf32>,
                }
                %scan3A_480 = arith.constant 256 : i32
              } else {
              }
            } else {
            }
          }
          %scan3A_149 = arith.constant 8 : i32
        } else {
        }
        %add3A_87 = arith.addi %mul3A_2, %scan3A_26 : i32
        %mul3A_88 = arith.constant 8 : i32
        %mul3A_89 = arith.muli %mul3A_88, %add3A_87 : i32
        %multiple_of3A_90 = tpu.assume_multiple %mul3A_89, 8 : i32
        %dma_start3A_91 = arith.constant 0 : i32
        %dma_start3A_92 = tpu.memref_slice %arg3[%multiple_of3A_90, %dma_start3A_91] : memref<6400x4096xf32, #tpu.memory_space<hbm>> -> memref<8x4096xf32, #tpu.memory_space<hbm>>
        %dma_start3A_93 = arith.constant 0 : i32
        %dma_start3A_94 = tpu.memref_slice %arg3[%multiple_of3A_90, %dma_start3A_93] : memref<6400x4096xf32, #tpu.memory_space<hbm>> -> memref<8x4096xf32, #tpu.memory_space<hbm>>
        tpu.enqueue_dma source(%arg5 : memref<8x4096xf32, #tpu.memory_space<vmem>>) target(%dma_start3A_94 : memref<8x4096xf32, #tpu.memory_space<hbm>>) target_semaphore(%arg10 : memref<!tpu.dma_semaphore, #tpu.memory_space<semaphore_mem>>)
      } else {
      }
      %jit3A_39 = arith.constant 2 : i32
      %eq3A_40 = arith.constant 0 : i32
      %eq3A_41 = arith.cmpi eq, %jit3A_39, %eq3A_40 : i32
      %jit3A_42 = arith.constant 1 : i32
      %select_n3A_43 = arith.select %eq3A_41, %jit3A_42, %jit3A_39 : i32
      %rem3A_44 = arith.remsi %scan3A_26, %select_n3A_43 : i32
      %ne3A_45 = arith.constant 0 : i32
      %ne3A_46 = arith.cmpi ne, %rem3A_44, %ne3A_45 : i32
      %lt3A_47 = arith.constant 0 : i32
      %lt3A_48 = arith.cmpi slt, %rem3A_44, %lt3A_47 : i32
      %lt3A_49 = arith.constant 0 : i32
      %lt3A_50 = arith.cmpi slt, %select_n3A_43, %lt3A_49 : i32
      %ne3A_51 = arith.xori %lt3A_48, %lt3A_50 : i1
      %and3A_52 = arith.andi %ne3A_51, %ne3A_46 : i1
      %add3A_53 = arith.addi %rem3A_44, %select_n3A_43 : i32
      %select_n3A_54 = arith.select %and3A_52, %add3A_53, %rem3A_44 : i32
      %eq3A_55 = arith.constant 1 : i32
      %eq3A_56 = arith.cmpi eq, %select_n3A_54, %eq3A_55 : i32
      %convert_element_type3A_57 = arith.extui %eq3A_56 : i1 to i32
      %cond3A_58 = arith.constant 0 : i32
      %cond3A_59 = arith.cmpi ne, %convert_element_type3A_57, %cond3A_58 : i32
      scf.if %cond3A_59 {
        %add3A_60 = arith.addi %mul3A_2, %scan3A_26 : i32
        %mul3A_61 = arith.constant 8 : i32
        %mul3A_62 = arith.muli %mul3A_61, %add3A_60 : i32
        %multiple_of3A_63 = tpu.assume_multiple %mul3A_62, 8 : i32
        %dma_wait3A_64 = arith.constant 0 : i32
        %dma_wait3A_65 = tpu.memref_slice %arg2[%multiple_of3A_63, %dma_wait3A_64] : memref<6400x4096xf32, #tpu.memory_space<hbm>> -> memref<8x4096xf32, #tpu.memory_space<hbm>>
        %dma_wait3A_66 = arith.constant 0 : i32
        %dma_wait3A_67 = tpu.memref_slice %arg2[%multiple_of3A_63, %dma_wait3A_66] : memref<6400x4096xf32, #tpu.memory_space<hbm>> -> memref<8x4096xf32, #tpu.memory_space<hbm>>
        tpu.wait_dma2 semaphore(%arg9 : memref<!tpu.dma_semaphore, #tpu.memory_space<semaphore_mem>>) src(%dma_wait3A_67 : memref<8x4096xf32, #tpu.memory_space<hbm>>) dst(%arg6 : memref<8x4096xf32, #tpu.memory_space<vmem>>)
        %gt3A = arith.constant 0 : i32
        %gt3A_68 = arith.cmpi sgt, %scan3A_26, %gt3A : i32
        %convert_element_type3A_69 = arith.extui %gt3A_68 : i1 to i32
        %cond3A_70 = arith.constant 0 : i32
        %cond3A_71 = arith.cmpi ne, %convert_element_type3A_69, %cond3A_70 : i32
        scf.if %cond3A_71 {
          %sub3A = arith.constant 1 : i32
          %sub3A_95 = arith.subi %scan3A_26, %sub3A : i32
          %add3A_96 = arith.addi %mul3A_2, %sub3A_95 : i32
          %mul3A_97 = arith.constant 8 : i32
          %mul3A_98 = arith.muli %mul3A_97, %add3A_96 : i32
          %multiple_of3A_99 = tpu.assume_multiple %mul3A_98, 8 : i32
          %dma_wait3A_100 = arith.constant 0 : i32
          %dma_wait3A_101 = tpu.memref_slice %arg3[%multiple_of3A_99, %dma_wait3A_100] : memref<6400x4096xf32, #tpu.memory_space<hbm>> -> memref<8x4096xf32, #tpu.memory_space<hbm>>
          %dma_wait3A_102 = arith.constant 0 : i32
          %dma_wait3A_103 = tpu.memref_slice %arg3[%multiple_of3A_99, %dma_wait3A_102] : memref<6400x4096xf32, #tpu.memory_space<hbm>> -> memref<8x4096xf32, #tpu.memory_space<hbm>>
          tpu.wait_dma2 semaphore(%arg10 : memref<!tpu.dma_semaphore, #tpu.memory_space<semaphore_mem>>) src(%arg5 : memref<8x4096xf32, #tpu.memory_space<vmem>>) dst(%dma_wait3A_103 : memref<8x4096xf32, #tpu.memory_space<hbm>>)
        } else {
        }
        %add3A_72 = arith.constant 1 : i32
        %add3A_73 = arith.addi %scan3A_26, %add3A_72 : i32
        %lt3A_74 = arith.constant 25 : i32
        %lt3A_75 = arith.cmpi slt, %add3A_73, %lt3A_74 : i32
        %convert_element_type3A_76 = arith.extui %lt3A_75 : i1 to i32
        %cond3A_77 = arith.constant 0 : i32
        %cond3A_78 = arith.cmpi ne, %convert_element_type3A_76, %cond3A_77 : i32
        scf.if %cond3A_78 {
          %add3A_95 = arith.constant 1 : i32
          %add3A_96 = arith.addi %scan3A_26, %add3A_95 : i32
          %add3A_97 = arith.addi %mul3A_2, %add3A_96 : i32
          %mul3A_98 = arith.constant 8 : i32
          %mul3A_99 = arith.muli %mul3A_98, %add3A_97 : i32
          %multiple_of3A_100 = tpu.assume_multiple %mul3A_99, 8 : i32
          %dma_start3A_101 = arith.constant 0 : i32
          %dma_start3A_102 = tpu.memref_slice %arg2[%multiple_of3A_100, %dma_start3A_101] : memref<6400x4096xf32, #tpu.memory_space<hbm>> -> memref<8x4096xf32, #tpu.memory_space<hbm>>
          %dma_start3A_103 = arith.constant 0 : i32
          %dma_start3A_104 = tpu.memref_slice %arg2[%multiple_of3A_100, %dma_start3A_103] : memref<6400x4096xf32, #tpu.memory_space<hbm>> -> memref<8x4096xf32, #tpu.memory_space<hbm>>
          tpu.enqueue_dma source(%dma_start3A_104 : memref<8x4096xf32, #tpu.memory_space<hbm>>) target(%arg5 : memref<8x4096xf32, #tpu.memory_space<vmem>>) target_semaphore(%arg9 : memref<!tpu.dma_semaphore, #tpu.memory_space<semaphore_mem>>)
        } else {
        }
        %add3A_79 = arith.addi %mul3A_2, %scan3A_26 : i32
        %ge3A = arith.constant 8 : i32
        %ge3A_80 = arith.cmpi sge, %add3A_79, %ge3A : i32
        %lt3A_81 = arith.constant 792 : i32
        %lt3A_82 = arith.cmpi slt, %add3A_79, %lt3A_81 : i32
        %and3A_83 = arith.andi %ge3A_80, %lt3A_82 : i1
        %convert_element_type3A_84 = arith.extui %and3A_83 : i1 to i32
        %cond3A_85 = arith.constant 0 : i32
        %cond3A_86 = arith.cmpi ne, %convert_element_type3A_84, %cond3A_85 : i32
        scf.if %cond3A_86 {
          %mul3A_95 = arith.constant 8 : i32
          %mul3A_96 = arith.muli %mul3A_95, %add3A_79 : i32
          %sub3A = arith.constant 64 : i32
          %sub3A_97 = arith.subi %mul3A_96, %sub3A : i32
          %jit3A_98 = arith.constant 1568 : i32
          %div3A = arith.divsi %sub3A_97, %jit3A_98 : i32
          %sign3A = arith.constant 0 : i32
          %sign3A_99 = arith.cmpi sgt, %sub3A_97, %sign3A : i32
          %sign3A_100 = arith.extui %sign3A_99 : i1 to i32
          %sign3A_101 = arith.constant 0 : i32
          %sign3A_102 = arith.cmpi slt, %sub3A_97, %sign3A_101 : i32
          %sign3A_103 = arith.extui %sign3A_102 : i1 to i32
          %sign3A_104 = arith.subi %sign3A_100, %sign3A_103 : i32
          %sign3A_105 = arith.constant 0 : i32
          %sign3A_106 = arith.cmpi sgt, %jit3A_98, %sign3A_105 : i32
          %sign3A_107 = arith.extui %sign3A_106 : i1 to i32
          %sign3A_108 = arith.constant 0 : i32
          %sign3A_109 = arith.cmpi slt, %jit3A_98, %sign3A_108 : i32
          %sign3A_110 = arith.extui %sign3A_109 : i1 to i32
          %sign3A_111 = arith.subi %sign3A_107, %sign3A_110 : i32
          %ne3A_112 = arith.cmpi ne, %sign3A_104, %sign3A_111 : i32
          %rem3A_113 = arith.remsi %sub3A_97, %jit3A_98 : i32
          %ne3A_114 = arith.constant 0 : i32
          %ne3A_115 = arith.cmpi ne, %rem3A_113, %ne3A_114 : i32
          %and3A_116 = arith.andi %ne3A_112, %ne3A_115 : i1
          %sub3A_117 = arith.constant 1 : i32
          %sub3A_118 = arith.subi %div3A, %sub3A_117 : i32
          %select_n3A_119 = arith.select %and3A_116, %sub3A_118, %div3A : i32
          %mul3A_120 = arith.constant 8 : i32
          %mul3A_121 = arith.muli %select_n3A_119, %mul3A_120 : i32
          %add3A_122 = arith.constant 3 : i32
          %add3A_123 = arith.addi %mul3A_121, %add3A_122 : i32
          %mul3A_124 = arith.constant 196 : i32
          %mul3A_125 = arith.muli %mul3A_124, %add3A_123 : i32
          %add3A_126 = arith.constant 64 : i32
          %add3A_127 = arith.addi %add3A_126, %mul3A_125 : i32
          %sub3A_128 = arith.constant 4 : i32
          %sub3A_129 = arith.subi %add3A_127, %sub3A_128 : i32
          %multiple_of3A_130 = tpu.assume_multiple %sub3A_129, 8 : i32
          %get3A = arith.constant 0 : i32
          %get3A_131 = arith.index_cast %get3A : i32 to index
          %get3A_132 = memref.load %arg8[%get3A_131] : memref<1xi32, #tpu.memory_space<smem>>
          %ne3A_133 = arith.cmpi ne, %get3A_132, %select_n3A_119 : i32
          %convert_element_type3A_134 = arith.extui %ne3A_133 : i1 to i32
          %cond3A_135 = arith.constant 0 : i32
          %cond3A_136 = arith.cmpi ne, %convert_element_type3A_134, %cond3A_135 : i32
          scf.if %cond3A_136 {
            "tpu.region"() ({
              %run_scoped3A = tpu.sem_alloc : memref<!tpu.dma_semaphore, #tpu.memory_space<semaphore_mem>>
              %dma_start3A_153 = arith.constant 0 : i32
              %dma_start3A_154 = tpu.memref_slice %arg2[%multiple_of3A_130, %dma_start3A_153] : memref<6400x4096xf32, #tpu.memory_space<hbm>> -> memref<200x128xf32, #tpu.memory_space<hbm>>
              %dma_start3A_155 = arith.constant 0 : i32
              %dma_start3A_156 = tpu.memref_slice %arg2[%multiple_of3A_130, %dma_start3A_155] : memref<6400x4096xf32, #tpu.memory_space<hbm>> -> memref<200x128xf32, #tpu.memory_space<hbm>>
              tpu.enqueue_dma source(%dma_start3A_156 : memref<200x128xf32, #tpu.memory_space<hbm>>) target(%arg4 : memref<200x128xf32, #tpu.memory_space<vmem>>) target_semaphore(%run_scoped3A : memref<!tpu.dma_semaphore, #tpu.memory_space<semaphore_mem>>)
              %dma_wait3A_157 = arith.constant 0 : i32
              %dma_wait3A_158 = tpu.memref_slice %arg2[%multiple_of3A_130, %dma_wait3A_157] : memref<6400x4096xf32, #tpu.memory_space<hbm>> -> memref<200x128xf32, #tpu.memory_space<hbm>>
              %dma_wait3A_159 = arith.constant 0 : i32
              %dma_wait3A_160 = tpu.memref_slice %arg2[%multiple_of3A_130, %dma_wait3A_159] : memref<6400x4096xf32, #tpu.memory_space<hbm>> -> memref<200x128xf32, #tpu.memory_space<hbm>>
              tpu.wait_dma2 semaphore(%run_scoped3A : memref<!tpu.dma_semaphore, #tpu.memory_space<semaphore_mem>>) src(%dma_wait3A_160 : memref<200x128xf32, #tpu.memory_space<hbm>>) dst(%arg4 : memref<200x128xf32, #tpu.memory_space<vmem>>)
              tpu.yield
            }) : () -> ()
            %swap3A_150 = arith.constant 0 : i32
            %swap3A_151 = arith.index_cast %swap3A_150 : i32 to index
            %swap3A_152 = memref.load %arg8[%swap3A_151] : memref<1xi32, #tpu.memory_space<smem>>
            memref.store %select_n3A_119, %arg8[%swap3A_151] : memref<1xi32, #tpu.memory_space<smem>>
          } else {
          }
          %mul3A_137 = arith.constant 8 : i32
          %mul3A_138 = arith.muli %mul3A_137, %add3A_79 : i32
          %sub3A_139 = arith.constant 64 : i32
          %sub3A_140 = arith.subi %mul3A_138, %sub3A_139 : i32
          %mul3A_141 = arith.constant 1568 : i32
          %mul3A_142 = arith.muli %mul3A_141, %select_n3A_119 : i32
          %sub3A_143 = arith.subi %sub3A_140, %mul3A_142 : i32
          %scan3A_144 = arith.constant 0 : i32
          %scan3A_145 = arith.constant 0 : i32
          %scan3A_146 = arith.constant 8 : i32
          %scan3A_147 = arith.addi %scan3A_145, %scan3A_146 : i32
          %scan3A_148 = arith.constant 1 : i32
          scf.for %scan3A_150 = %scan3A_145 to %scan3A_147 step %scan3A_148  : i32 {
            %add3A_151 = arith.addi %sub3A_143, %scan3A_150 : i32
            %jit3A_152 = arith.constant 196 : i32
            %div3A_153 = arith.divsi %add3A_151, %jit3A_152 : i32
            %sign3A_154 = arith.constant 0 : i32
            %sign3A_155 = arith.cmpi sgt, %add3A_151, %sign3A_154 : i32
            %sign3A_156 = arith.extui %sign3A_155 : i1 to i32
            %sign3A_157 = arith.constant 0 : i32
            %sign3A_158 = arith.cmpi slt, %add3A_151, %sign3A_157 : i32
            %sign3A_159 = arith.extui %sign3A_158 : i1 to i32
            %sign3A_160 = arith.subi %sign3A_156, %sign3A_159 : i32
            %sign3A_161 = arith.constant 0 : i32
            %sign3A_162 = arith.cmpi sgt, %jit3A_152, %sign3A_161 : i32
            %sign3A_163 = arith.extui %sign3A_162 : i1 to i32
            %sign3A_164 = arith.constant 0 : i32
            %sign3A_165 = arith.cmpi slt, %jit3A_152, %sign3A_164 : i32
            %sign3A_166 = arith.extui %sign3A_165 : i1 to i32
            %sign3A_167 = arith.subi %sign3A_163, %sign3A_166 : i32
            %ne3A_168 = arith.cmpi ne, %sign3A_160, %sign3A_167 : i32
            %rem3A_169 = arith.remsi %add3A_151, %jit3A_152 : i32
            %ne3A_170 = arith.constant 0 : i32
            %ne3A_171 = arith.cmpi ne, %rem3A_169, %ne3A_170 : i32
            %and3A_172 = arith.andi %ne3A_168, %ne3A_171 : i1
            %sub3A_173 = arith.constant 1 : i32
            %sub3A_174 = arith.subi %div3A_153, %sub3A_173 : i32
            %select_n3A_175 = arith.select %and3A_172, %sub3A_174, %div3A_153 : i32
            %jit3A_176 = arith.constant 196 : i32
            %eq3A_177 = arith.constant 0 : i32
            %eq3A_178 = arith.cmpi eq, %jit3A_176, %eq3A_177 : i32
            %jit3A_179 = arith.constant 1 : i32
            %select_n3A_180 = arith.select %eq3A_178, %jit3A_179, %jit3A_176 : i32
            %rem3A_181 = arith.remsi %add3A_151, %select_n3A_180 : i32
            %ne3A_182 = arith.constant 0 : i32
            %ne3A_183 = arith.cmpi ne, %rem3A_181, %ne3A_182 : i32
            %lt3A_184 = arith.constant 0 : i32
            %lt3A_185 = arith.cmpi slt, %rem3A_181, %lt3A_184 : i32
            %lt3A_186 = arith.constant 0 : i32
            %lt3A_187 = arith.cmpi slt, %select_n3A_180, %lt3A_186 : i32
            %ne3A_188 = arith.xori %lt3A_185, %lt3A_187 : i1
            %and3A_189 = arith.andi %ne3A_188, %ne3A_183 : i1
            %add3A_190 = arith.addi %rem3A_181, %select_n3A_180 : i32
            %select_n3A_191 = arith.select %and3A_189, %add3A_190, %rem3A_181 : i32
            %broadcast_in_dim3A = arith.constant 0.000000e+00 : f32
            %broadcast_in_dim3A_192 = vector.broadcast %broadcast_in_dim3A : f32 to vector<16xf32>
            %get3A_193 = arith.index_cast %scan3A_150 : i32 to index
            %get3A_194 = arith.constant 0 : index
            %get3A_195 = tpu.vector_load %arg6[%get3A_193, %get3A_194] {strides = array<i32>} : memref<8x4096xf32, #tpu.memory_space<vmem>>, vector<1x16xf32>,
            %get3A_196 = vector.shape_cast %get3A_195 : vector<1x16xf32> to vector<16xf32>
            %add3A_197 = arith.constant 4 : i32
            %add3A_198 = arith.addi %add3A_197, %select_n3A_191 : i32
            %get3A_199 = arith.index_cast %add3A_198 : i32 to index
            %get3A_200 = arith.constant 0 : index
            %get3A_201 = tpu.vector_load %arg4[%get3A_199, %get3A_200] {strides = array<i32>} : memref<200x128xf32, #tpu.memory_space<vmem>>, vector<1x16xf32>,
            %get3A_202 = vector.shape_cast %get3A_201 : vector<1x16xf32> to vector<16xf32>
            %sub3A_203 = arith.subf %get3A_196, %get3A_202 : vector<16xf32>
            %abs3A = math.absf %sub3A_203 : vector<16xf32>
            %add3A_204 = arith.addf %broadcast_in_dim3A_192, %abs3A : vector<16xf32>
            %get3A_205 = arith.index_cast %scan3A_150 : i32 to index
            %get3A_206 = arith.constant 16 : index
            %get3A_207 = tpu.vector_load %arg6[%get3A_205, %get3A_206] {strides = array<i32>} : memref<8x4096xf32, #tpu.memory_space<vmem>>, vector<1x16xf32>,
            %get3A_208 = vector.shape_cast %get3A_207 : vector<1x16xf32> to vector<16xf32>
            %add3A_209 = arith.constant 4 : i32
            %add3A_210 = arith.addi %add3A_209, %select_n3A_191 : i32
            %get3A_211 = arith.index_cast %add3A_210 : i32 to index
            %get3A_212 = arith.constant 16 : index
            %get3A_213 = tpu.vector_load %arg4[%get3A_211, %get3A_212] {strides = array<i32>} : memref<200x128xf32, #tpu.memory_space<vmem>>, vector<1x16xf32>,
            %get3A_214 = vector.shape_cast %get3A_213 : vector<1x16xf32> to vector<16xf32>
            %sub3A_215 = arith.subf %get3A_208, %get3A_214 : vector<16xf32>
            %abs3A_216 = math.absf %sub3A_215 : vector<16xf32>
            %add3A_217 = arith.addf %add3A_204, %abs3A_216 : vector<16xf32>
            %get3A_218 = arith.index_cast %scan3A_150 : i32 to index
            %get3A_219 = arith.constant 32 : index
            %get3A_220 = tpu.vector_load %arg6[%get3A_218, %get3A_219] {strides = array<i32>} : memref<8x4096xf32, #tpu.memory_space<vmem>>, vector<1x16xf32>,
            %get3A_221 = vector.shape_cast %get3A_220 : vector<1x16xf32> to vector<16xf32>
            %add3A_222 = arith.constant 4 : i32
            %add3A_223 = arith.addi %add3A_222, %select_n3A_191 : i32
            %get3A_224 = arith.index_cast %add3A_223 : i32 to index
            %get3A_225 = arith.constant 32 : index
            %get3A_226 = tpu.vector_load %arg4[%get3A_224, %get3A_225] {strides = array<i32>} : memref<200x128xf32, #tpu.memory_space<vmem>>, vector<1x16xf32>,
            %get3A_227 = vector.shape_cast %get3A_226 : vector<1x16xf32> to vector<16xf32>
            %sub3A_228 = arith.subf %get3A_221, %get3A_227 : vector<16xf32>
            %abs3A_229 = math.absf %sub3A_228 : vector<16xf32>
            %add3A_230 = arith.addf %add3A_217, %abs3A_229 : vector<16xf32>
            %get3A_231 = arith.index_cast %scan3A_150 : i32 to index
            %get3A_232 = arith.constant 48 : index
            %get3A_233 = tpu.vector_load %arg6[%get3A_231, %get3A_232] {strides = array<i32>} : memref<8x4096xf32, #tpu.memory_space<vmem>>, vector<1x16xf32>,
            %get3A_234 = vector.shape_cast %get3A_233 : vector<1x16xf32> to vector<16xf32>
            %add3A_235 = arith.constant 4 : i32
            %add3A_236 = arith.addi %add3A_235, %select_n3A_191 : i32
            %get3A_237 = arith.index_cast %add3A_236 : i32 to index
            %get3A_238 = arith.constant 48 : index
            %get3A_239 = tpu.vector_load %arg4[%get3A_237, %get3A_238] {strides = array<i32>} : memref<200x128xf32, #tpu.memory_space<vmem>>, vector<1x16xf32>,
            %get3A_240 = vector.shape_cast %get3A_239 : vector<1x16xf32> to vector<16xf32>
            %sub3A_241 = arith.subf %get3A_234, %get3A_240 : vector<16xf32>
            %abs3A_242 = math.absf %sub3A_241 : vector<16xf32>
            %add3A_243 = arith.addf %add3A_230, %abs3A_242 : vector<16xf32>
            %get3A_244 = arith.index_cast %scan3A_150 : i32 to index
            %get3A_245 = arith.constant 64 : index
            %get3A_246 = tpu.vector_load %arg6[%get3A_244, %get3A_245] {strides = array<i32>} : memref<8x4096xf32, #tpu.memory_space<vmem>>, vector<1x16xf32>,
            %get3A_247 = vector.shape_cast %get3A_246 : vector<1x16xf32> to vector<16xf32>
            %add3A_248 = arith.constant 4 : i32
            %add3A_249 = arith.addi %add3A_248, %select_n3A_191 : i32
            %get3A_250 = arith.index_cast %add3A_249 : i32 to index
            %get3A_251 = arith.constant 64 : index
            %get3A_252 = tpu.vector_load %arg4[%get3A_250, %get3A_251] {strides = array<i32>} : memref<200x128xf32, #tpu.memory_space<vmem>>, vector<1x16xf32>,
            %get3A_253 = vector.shape_cast %get3A_252 : vector<1x16xf32> to vector<16xf32>
            %sub3A_254 = arith.subf %get3A_247, %get3A_253 : vector<16xf32>
            %abs3A_255 = math.absf %sub3A_254 : vector<16xf32>
            %add3A_256 = arith.addf %add3A_243, %abs3A_255 : vector<16xf32>
            %get3A_257 = arith.index_cast %scan3A_150 : i32 to index
            %get3A_258 = arith.constant 80 : index
            %get3A_259 = tpu.vector_load %arg6[%get3A_257, %get3A_258] {strides = array<i32>} : memref<8x4096xf32, #tpu.memory_space<vmem>>, vector<1x16xf32>,
            %get3A_260 = vector.shape_cast %get3A_259 : vector<1x16xf32> to vector<16xf32>
            %add3A_261 = arith.constant 4 : i32
            %add3A_262 = arith.addi %add3A_261, %select_n3A_191 : i32
            %get3A_263 = arith.index_cast %add3A_262 : i32 to index
            %get3A_264 = arith.constant 80 : index
            %get3A_265 = tpu.vector_load %arg4[%get3A_263, %get3A_264] {strides = array<i32>} : memref<200x128xf32, #tpu.memory_space<vmem>>, vector<1x16xf32>,
            %get3A_266 = vector.shape_cast %get3A_265 : vector<1x16xf32> to vector<16xf32>
            %sub3A_267 = arith.subf %get3A_260, %get3A_266 : vector<16xf32>
            %abs3A_268 = math.absf %sub3A_267 : vector<16xf32>
            %add3A_269 = arith.addf %add3A_256, %abs3A_268 : vector<16xf32>
            %get3A_270 = arith.index_cast %scan3A_150 : i32 to index
            %get3A_271 = arith.constant 96 : index
            %get3A_272 = tpu.vector_load %arg6[%get3A_270, %get3A_271] {strides = array<i32>} : memref<8x4096xf32, #tpu.memory_space<vmem>>, vector<1x16xf32>,
            %get3A_273 = vector.shape_cast %get3A_272 : vector<1x16xf32> to vector<16xf32>
            %add3A_274 = arith.constant 4 : i32
            %add3A_275 = arith.addi %add3A_274, %select_n3A_191 : i32
            %get3A_276 = arith.index_cast %add3A_275 : i32 to index
            %get3A_277 = arith.constant 96 : index
            %get3A_278 = tpu.vector_load %arg4[%get3A_276, %get3A_277] {strides = array<i32>} : memref<200x128xf32, #tpu.memory_space<vmem>>, vector<1x16xf32>,
            %get3A_279 = vector.shape_cast %get3A_278 : vector<1x16xf32> to vector<16xf32>
            %sub3A_280 = arith.subf %get3A_273, %get3A_279 : vector<16xf32>
            %abs3A_281 = math.absf %sub3A_280 : vector<16xf32>
            %add3A_282 = arith.addf %add3A_269, %abs3A_281 : vector<16xf32>
            %get3A_283 = arith.index_cast %scan3A_150 : i32 to index
            %get3A_284 = arith.constant 112 : index
            %get3A_285 = tpu.vector_load %arg6[%get3A_283, %get3A_284] {strides = array<i32>} : memref<8x4096xf32, #tpu.memory_space<vmem>>, vector<1x16xf32>,
            %get3A_286 = vector.shape_cast %get3A_285 : vector<1x16xf32> to vector<16xf32>
            %add3A_287 = arith.constant 4 : i32
            %add3A_288 = arith.addi %add3A_287, %select_n3A_191 : i32
            %get3A_289 = arith.index_cast %add3A_288 : i32 to index
            %get3A_290 = arith.constant 112 : index
            %get3A_291 = tpu.vector_load %arg4[%get3A_289, %get3A_290] {strides = array<i32>} : memref<200x128xf32, #tpu.memory_space<vmem>>, vector<1x16xf32>,
            %get3A_292 = vector.shape_cast %get3A_291 : vector<1x16xf32> to vector<16xf32>
            %sub3A_293 = arith.subf %get3A_286, %get3A_292 : vector<16xf32>
            %abs3A_294 = math.absf %sub3A_293 : vector<16xf32>
            %add3A_295 = arith.addf %add3A_282, %abs3A_294 : vector<16xf32>
            %iota3A = tpu.iota {dimensions = array<i32: 0>} : vector<16xi32>
            %xor3A = arith.constant 8 : i32
            %xor3A_296 = vector.broadcast %xor3A : i32 to vector<16xi32>
            %xor3A_297 = arith.xori %iota3A, %xor3A_296 : vector<16xi32>
            %lt3A_298 = arith.constant 0 : i32
            %lt3A_299 = vector.broadcast %lt3A_298 : i32 to vector<16xi32>
            %lt3A_300 = arith.cmpi slt, %xor3A_297, %lt3A_299 : vector<16xi32>
            %add3A_301 = arith.constant 16 : i32
            %add3A_302 = vector.broadcast %add3A_301 : i32 to vector<16xi32>
            %add3A_303 = arith.addi %xor3A_297, %add3A_302 : vector<16xi32>
            %select_n3A_304 = arith.select %lt3A_300, %add3A_303, %xor3A_297 : vector<16xi1>, vector<16xi32>
            %broadcast_in_dim3A_305 = vector.shape_cast %select_n3A_304 : vector<16xi32> to vector<16x1xi32>
            %gather3A = vector.shape_cast %broadcast_in_dim3A_305 : vector<16x1xi32> to vector<16xi32>
            %gather3A_306 = tpu.dynamic_gather %add3A_295[%gather3A] in [0] : vector<16xf32>, vector<16xi32> -> vector<16xf32>
            %add3A_307 = arith.addf %add3A_295, %gather3A_306 : vector<16xf32>
            %iota3A_308 = tpu.iota {dimensions = array<i32: 0>} : vector<16xi32>
            %xor3A_309 = arith.constant 4 : i32
            %xor3A_310 = vector.broadcast %xor3A_309 : i32 to vector<16xi32>
            %xor3A_311 = arith.xori %iota3A_308, %xor3A_310 : vector<16xi32>
            %lt3A_312 = arith.constant 0 : i32
            %lt3A_313 = vector.broadcast %lt3A_312 : i32 to vector<16xi32>
            %lt3A_314 = arith.cmpi slt, %xor3A_311, %lt3A_313 : vector<16xi32>
            %add3A_315 = arith.constant 16 : i32
            %add3A_316 = vector.broadcast %add3A_315 : i32 to vector<16xi32>
            %add3A_317 = arith.addi %xor3A_311, %add3A_316 : vector<16xi32>
            %select_n3A_318 = arith.select %lt3A_314, %add3A_317, %xor3A_311 : vector<16xi1>, vector<16xi32>
            %broadcast_in_dim3A_319 = vector.shape_cast %select_n3A_318 : vector<16xi32> to vector<16x1xi32>
            %gather3A_320 = vector.shape_cast %broadcast_in_dim3A_319 : vector<16x1xi32> to vector<16xi32>
            %gather3A_321 = tpu.dynamic_gather %add3A_307[%gather3A_320] in [0] : vector<16xf32>, vector<16xi32> -> vector<16xf32>
            %add3A_322 = arith.addf %add3A_307, %gather3A_321 : vector<16xf32>
            %iota3A_323 = tpu.iota {dimensions = array<i32: 0>} : vector<16xi32>
            %xor3A_324 = arith.constant 2 : i32
            %xor3A_325 = vector.broadcast %xor3A_324 : i32 to vector<16xi32>
            %xor3A_326 = arith.xori %iota3A_323, %xor3A_325 : vector<16xi32>
            %lt3A_327 = arith.constant 0 : i32
            %lt3A_328 = vector.broadcast %lt3A_327 : i32 to vector<16xi32>
            %lt3A_329 = arith.cmpi slt, %xor3A_326, %lt3A_328 : vector<16xi32>
            %add3A_330 = arith.constant 16 : i32
            %add3A_331 = vector.broadcast %add3A_330 : i32 to vector<16xi32>
            %add3A_332 = arith.addi %xor3A_326, %add3A_331 : vector<16xi32>
            %select_n3A_333 = arith.select %lt3A_329, %add3A_332, %xor3A_326 : vector<16xi1>, vector<16xi32>
            %broadcast_in_dim3A_334 = vector.shape_cast %select_n3A_333 : vector<16xi32> to vector<16x1xi32>
            %gather3A_335 = vector.shape_cast %broadcast_in_dim3A_334 : vector<16x1xi32> to vector<16xi32>
            %gather3A_336 = tpu.dynamic_gather %add3A_322[%gather3A_335] in [0] : vector<16xf32>, vector<16xi32> -> vector<16xf32>
            %add3A_337 = arith.addf %add3A_322, %gather3A_336 : vector<16xf32>
            %iota3A_338 = tpu.iota {dimensions = array<i32: 0>} : vector<16xi32>
            %xor3A_339 = arith.constant 1 : i32
            %xor3A_340 = vector.broadcast %xor3A_339 : i32 to vector<16xi32>
            %xor3A_341 = arith.xori %iota3A_338, %xor3A_340 : vector<16xi32>
            %lt3A_342 = arith.constant 0 : i32
            %lt3A_343 = vector.broadcast %lt3A_342 : i32 to vector<16xi32>
            %lt3A_344 = arith.cmpi slt, %xor3A_341, %lt3A_343 : vector<16xi32>
            %add3A_345 = arith.constant 16 : i32
            %add3A_346 = vector.broadcast %add3A_345 : i32 to vector<16xi32>
            %add3A_347 = arith.addi %xor3A_341, %add3A_346 : vector<16xi32>
            %select_n3A_348 = arith.select %lt3A_344, %add3A_347, %xor3A_341 : vector<16xi1>, vector<16xi32>
            %broadcast_in_dim3A_349 = vector.shape_cast %select_n3A_348 : vector<16xi32> to vector<16x1xi32>
            %gather3A_350 = vector.shape_cast %broadcast_in_dim3A_349 : vector<16x1xi32> to vector<16xi32>
            %gather3A_351 = tpu.dynamic_gather %add3A_337[%gather3A_350] in [0] : vector<16xf32>, vector<16xi32> -> vector<16xf32>
            %add3A_352 = arith.addf %add3A_337, %gather3A_351 : vector<16xf32>
            %slice3A = vector.extract_strided_slice %add3A_352 {offsets = [0], sizes = [1], strides = [1]} : vector<16xf32> to vector<1xf32>
            %squeeze3A = vector.extract %slice3A[0] : f32 from vector<1xf32>
            %lt3A_353 = arith.constant 5.000000e+01 : f32
            %lt3A_354 = arith.cmpf olt, %squeeze3A, %lt3A_353 : f32
            %ne3A_355 = arith.constant 3 : i32
            %ne3A_356 = arith.cmpi ne, %select_n3A_175, %ne3A_355 : i32
            %and3A_357 = arith.andi %lt3A_354, %ne3A_356 : i1
            %convert_element_type3A_358 = arith.extui %and3A_357 : i1 to i32
            %cond3A_359 = arith.constant 0 : i32
            %cond3A_360 = arith.cmpi ne, %convert_element_type3A_358, %cond3A_359 : i32
            scf.if %cond3A_360 {
              %add3A_361 = arith.constant 4 : i32
              %add3A_362 = arith.addi %multiple_of3A_130, %add3A_361 : i32
              %add3A_363 = arith.addi %add3A_362, %select_n3A_191 : i32
              %jit3A_364 = arith.constant 8 : i32
              %div3A_365 = arith.divsi %add3A_363, %jit3A_364 : i32
              %sign3A_366 = arith.constant 0 : i32
              %sign3A_367 = arith.cmpi sgt, %add3A_363, %sign3A_366 : i32
              %sign3A_368 = arith.extui %sign3A_367 : i1 to i32
              %sign3A_369 = arith.constant 0 : i32
              %sign3A_370 = arith.cmpi slt, %add3A_363, %sign3A_369 : i32
              %sign3A_371 = arith.extui %sign3A_370 : i1 to i32
              %sign3A_372 = arith.subi %sign3A_368, %sign3A_371 : i32
              %sign3A_373 = arith.constant 0 : i32
              %sign3A_374 = arith.cmpi sgt, %jit3A_364, %sign3A_373 : i32
              %sign3A_375 = arith.extui %sign3A_374 : i1 to i32
              %sign3A_376 = arith.constant 0 : i32
              %sign3A_377 = arith.cmpi slt, %jit3A_364, %sign3A_376 : i32
              %sign3A_378 = arith.extui %sign3A_377 : i1 to i32
              %sign3A_379 = arith.subi %sign3A_375, %sign3A_378 : i32
              %ne3A_380 = arith.cmpi ne, %sign3A_372, %sign3A_379 : i32
              %rem3A_381 = arith.remsi %add3A_363, %jit3A_364 : i32
              %ne3A_382 = arith.constant 0 : i32
              %ne3A_383 = arith.cmpi ne, %rem3A_381, %ne3A_382 : i32
              %and3A_384 = arith.andi %ne3A_380, %ne3A_383 : i1
              %sub3A_385 = arith.constant 1 : i32
              %sub3A_386 = arith.subi %div3A_365, %sub3A_385 : i32
              %select_n3A_387 = arith.select %and3A_384, %sub3A_386, %div3A_365 : i32
              %mul3A_388 = arith.constant 8 : i32
              %mul3A_389 = arith.muli %select_n3A_387, %mul3A_388 : i32
              %multiple_of3A_390 = tpu.assume_multiple %mul3A_389, 8 : i32
              %sub3A_391 = arith.subi %add3A_363, %multiple_of3A_390 : i32
              %dma_start3A_392 = arith.constant 0 : i32
              %dma_start3A_393 = tpu.memref_slice %arg2[%multiple_of3A_390, %dma_start3A_392] : memref<6400x4096xf32, #tpu.memory_space<hbm>> -> memref<8x4096xf32, #tpu.memory_space<hbm>>
              %dma_start3A_394 = arith.constant 0 : i32
              %dma_start3A_395 = tpu.memref_slice %arg2[%multiple_of3A_390, %dma_start3A_394] : memref<6400x4096xf32, #tpu.memory_space<hbm>> -> memref<8x4096xf32, #tpu.memory_space<hbm>>
              tpu.enqueue_dma source(%dma_start3A_395 : memref<8x4096xf32, #tpu.memory_space<hbm>>) target(%arg7 : memref<8x4096xf32, #tpu.memory_space<vmem>>) target_semaphore(%arg11 : memref<!tpu.dma_semaphore, #tpu.memory_space<semaphore_mem>>)
              %dma_wait3A_396 = arith.constant 0 : i32
              %dma_wait3A_397 = tpu.memref_slice %arg2[%multiple_of3A_390, %dma_wait3A_396] : memref<6400x4096xf32, #tpu.memory_space<hbm>> -> memref<8x4096xf32, #tpu.memory_space<hbm>>
              %dma_wait3A_398 = arith.constant 0 : i32
              %dma_wait3A_399 = tpu.memref_slice %arg2[%multiple_of3A_390, %dma_wait3A_398] : memref<6400x4096xf32, #tpu.memory_space<hbm>> -> memref<8x4096xf32, #tpu.memory_space<hbm>>
              tpu.wait_dma2 semaphore(%arg11 : memref<!tpu.dma_semaphore, #tpu.memory_space<semaphore_mem>>) src(%dma_wait3A_399 : memref<8x4096xf32, #tpu.memory_space<hbm>>) dst(%arg7 : memref<8x4096xf32, #tpu.memory_space<vmem>>)
              %broadcast_in_dim3A_400 = arith.constant 0.000000e+00 : f32
              %broadcast_in_dim3A_401 = vector.broadcast %broadcast_in_dim3A_400 : f32 to vector<16xf32>
              %scan3A_402 = arith.constant 0 : i32
              %scan3A_403 = arith.constant 256 : i32
              %scan3A_404 = arith.addi %scan3A_402, %scan3A_403 : i32
              %scan3A_405 = arith.constant 1 : i32
              %scan3A_406 = scf.for %scan3A_475 = %scan3A_402 to %scan3A_404 step %scan3A_405 iter_args(%scan3A_476 = %broadcast_in_dim3A_401) -> (vector<16xf32>)  : i32 {
                %mul3A_477 = arith.constant 16 : i32
                %mul3A_478 = arith.muli %scan3A_475, %mul3A_477 : i32
                %get3A_479 = arith.index_cast %scan3A_150 : i32 to index
                %get3A_480 = arith.index_cast %mul3A_478 : i32 to index
                %get3A_481 = tpu.vector_load %arg6[%get3A_479, %get3A_480] {strides = array<i32>} : memref<8x4096xf32, #tpu.memory_space<vmem>>, vector<1x16xf32>,
                %get3A_482 = vector.shape_cast %get3A_481 : vector<1x16xf32> to vector<16xf32>
                %mul3A_483 = arith.constant 16 : i32
                %mul3A_484 = arith.muli %scan3A_475, %mul3A_483 : i32
                %get3A_485 = arith.index_cast %sub3A_391 : i32 to index
                %get3A_486 = arith.index_cast %mul3A_484 : i32 to index
                %get3A_487 = tpu.vector_load %arg7[%get3A_485, %get3A_486] {strides = array<i32>} : memref<8x4096xf32, #tpu.memory_space<vmem>>, vector<1x16xf32>,
                %get3A_488 = vector.shape_cast %get3A_487 : vector<1x16xf32> to vector<16xf32>
                %sub3A_489 = arith.subf %get3A_482, %get3A_488 : vector<16xf32>
                %abs3A_490 = math.absf %sub3A_489 : vector<16xf32>
                %add3A_491 = arith.addf %scan3A_476, %abs3A_490 : vector<16xf32>
                scf.yield %add3A_491 : vector<16xf32>
              }
              %scan3A_407 = arith.constant 256 : i32
              %iota3A_408 = tpu.iota {dimensions = array<i32: 0>} : vector<16xi32>
              %xor3A_409 = arith.constant 8 : i32
              %xor3A_410 = vector.broadcast %xor3A_409 : i32 to vector<16xi32>
              %xor3A_411 = arith.xori %iota3A_408, %xor3A_410 : vector<16xi32>
              %lt3A_412 = arith.constant 0 : i32
              %lt3A_413 = vector.broadcast %lt3A_412 : i32 to vector<16xi32>
              %lt3A_414 = arith.cmpi slt, %xor3A_411, %lt3A_413 : vector<16xi32>
              %add3A_415 = arith.constant 16 : i32
              %add3A_416 = vector.broadcast %add3A_415 : i32 to vector<16xi32>
              %add3A_417 = arith.addi %xor3A_411, %add3A_416 : vector<16xi32>
              %select_n3A_418 = arith.select %lt3A_414, %add3A_417, %xor3A_411 : vector<16xi1>, vector<16xi32>
              %broadcast_in_dim3A_419 = vector.shape_cast %select_n3A_418 : vector<16xi32> to vector<16x1xi32>
              %gather3A_420 = vector.shape_cast %broadcast_in_dim3A_419 : vector<16x1xi32> to vector<16xi32>
              %gather3A_421 = tpu.dynamic_gather %scan3A_406[%gather3A_420] in [0] : vector<16xf32>, vector<16xi32> -> vector<16xf32>
              %add3A_422 = arith.addf %scan3A_406, %gather3A_421 : vector<16xf32>
              %iota3A_423 = tpu.iota {dimensions = array<i32: 0>} : vector<16xi32>
              %xor3A_424 = arith.constant 4 : i32
              %xor3A_425 = vector.broadcast %xor3A_424 : i32 to vector<16xi32>
              %xor3A_426 = arith.xori %iota3A_423, %xor3A_425 : vector<16xi32>
              %lt3A_427 = arith.constant 0 : i32
              %lt3A_428 = vector.broadcast %lt3A_427 : i32 to vector<16xi32>
              %lt3A_429 = arith.cmpi slt, %xor3A_426, %lt3A_428 : vector<16xi32>
              %add3A_430 = arith.constant 16 : i32
              %add3A_431 = vector.broadcast %add3A_430 : i32 to vector<16xi32>
              %add3A_432 = arith.addi %xor3A_426, %add3A_431 : vector<16xi32>
              %select_n3A_433 = arith.select %lt3A_429, %add3A_432, %xor3A_426 : vector<16xi1>, vector<16xi32>
              %broadcast_in_dim3A_434 = vector.shape_cast %select_n3A_433 : vector<16xi32> to vector<16x1xi32>
              %gather3A_435 = vector.shape_cast %broadcast_in_dim3A_434 : vector<16x1xi32> to vector<16xi32>
              %gather3A_436 = tpu.dynamic_gather %add3A_422[%gather3A_435] in [0] : vector<16xf32>, vector<16xi32> -> vector<16xf32>
              %add3A_437 = arith.addf %add3A_422, %gather3A_436 : vector<16xf32>
              %iota3A_438 = tpu.iota {dimensions = array<i32: 0>} : vector<16xi32>
              %xor3A_439 = arith.constant 2 : i32
              %xor3A_440 = vector.broadcast %xor3A_439 : i32 to vector<16xi32>
              %xor3A_441 = arith.xori %iota3A_438, %xor3A_440 : vector<16xi32>
              %lt3A_442 = arith.constant 0 : i32
              %lt3A_443 = vector.broadcast %lt3A_442 : i32 to vector<16xi32>
              %lt3A_444 = arith.cmpi slt, %xor3A_441, %lt3A_443 : vector<16xi32>
              %add3A_445 = arith.constant 16 : i32
              %add3A_446 = vector.broadcast %add3A_445 : i32 to vector<16xi32>
              %add3A_447 = arith.addi %xor3A_441, %add3A_446 : vector<16xi32>
              %select_n3A_448 = arith.select %lt3A_444, %add3A_447, %xor3A_441 : vector<16xi1>, vector<16xi32>
              %broadcast_in_dim3A_449 = vector.shape_cast %select_n3A_448 : vector<16xi32> to vector<16x1xi32>
              %gather3A_450 = vector.shape_cast %broadcast_in_dim3A_449 : vector<16x1xi32> to vector<16xi32>
              %gather3A_451 = tpu.dynamic_gather %add3A_437[%gather3A_450] in [0] : vector<16xf32>, vector<16xi32> -> vector<16xf32>
              %add3A_452 = arith.addf %add3A_437, %gather3A_451 : vector<16xf32>
              %iota3A_453 = tpu.iota {dimensions = array<i32: 0>} : vector<16xi32>
              %xor3A_454 = arith.constant 1 : i32
              %xor3A_455 = vector.broadcast %xor3A_454 : i32 to vector<16xi32>
              %xor3A_456 = arith.xori %iota3A_453, %xor3A_455 : vector<16xi32>
              %lt3A_457 = arith.constant 0 : i32
              %lt3A_458 = vector.broadcast %lt3A_457 : i32 to vector<16xi32>
              %lt3A_459 = arith.cmpi slt, %xor3A_456, %lt3A_458 : vector<16xi32>
              %add3A_460 = arith.constant 16 : i32
              %add3A_461 = vector.broadcast %add3A_460 : i32 to vector<16xi32>
              %add3A_462 = arith.addi %xor3A_456, %add3A_461 : vector<16xi32>
              %select_n3A_463 = arith.select %lt3A_459, %add3A_462, %xor3A_456 : vector<16xi1>, vector<16xi32>
              %broadcast_in_dim3A_464 = vector.shape_cast %select_n3A_463 : vector<16xi32> to vector<16x1xi32>
              %gather3A_465 = vector.shape_cast %broadcast_in_dim3A_464 : vector<16x1xi32> to vector<16xi32>
              %gather3A_466 = tpu.dynamic_gather %add3A_452[%gather3A_465] in [0] : vector<16xf32>, vector<16xi32> -> vector<16xf32>
              %add3A_467 = arith.addf %add3A_452, %gather3A_466 : vector<16xf32>
              %slice3A_468 = vector.extract_strided_slice %add3A_467 {offsets = [0], sizes = [1], strides = [1]} : vector<16xf32> to vector<1xf32>
              %squeeze3A_469 = vector.extract %slice3A_468[0] : f32 from vector<1xf32>
              %lt3A_470 = arith.constant 5.000000e+01 : f32
              %lt3A_471 = arith.cmpf olt, %squeeze3A_469, %lt3A_470 : f32
              %convert_element_type3A_472 = arith.extui %lt3A_471 : i1 to i32
              %cond3A_473 = arith.constant 0 : i32
              %cond3A_474 = arith.cmpi ne, %convert_element_type3A_472, %cond3A_473 : i32
              scf.if %cond3A_474 {
                %scan3A_475 = arith.constant 0 : i32
                %scan3A_476 = arith.constant 0 : i32
                %scan3A_477 = arith.constant 256 : i32
                %scan3A_478 = arith.addi %scan3A_476, %scan3A_477 : i32
                %scan3A_479 = arith.constant 1 : i32
                scf.for %scan3A_481 = %scan3A_476 to %scan3A_478 step %scan3A_479  : i32 {
                  %mul3A_482 = arith.constant 16 : i32
                  %mul3A_483 = arith.muli %scan3A_481, %mul3A_482 : i32
                  %get3A_484 = arith.index_cast %sub3A_391 : i32 to index
                  %get3A_485 = arith.index_cast %mul3A_483 : i32 to index
                  %get3A_486 = tpu.vector_load %arg7[%get3A_484, %get3A_485] {strides = array<i32>} : memref<8x4096xf32, #tpu.memory_space<vmem>>, vector<1x16xf32>,
                  %get3A_487 = vector.shape_cast %get3A_486 : vector<1x16xf32> to vector<16xf32>
                  %mul3A_488 = arith.constant 16 : i32
                  %mul3A_489 = arith.muli %scan3A_481, %mul3A_488 : i32
                  %swap3A_490 = arith.index_cast %scan3A_150 : i32 to index
                  %swap3A_491 = arith.index_cast %mul3A_489 : i32 to index
                  %swap3A_492 = tpu.vector_load %arg6[%swap3A_490, %swap3A_491] {strides = array<i32>} : memref<8x4096xf32, #tpu.memory_space<vmem>>, vector<1x16xf32>,
                  %swap3A_493 = vector.shape_cast %swap3A_492 : vector<1x16xf32> to vector<16xf32>
                  %swap3A_494 = vector.shape_cast %get3A_487 : vector<16xf32> to vector<1x16xf32>
                  tpu.vector_store %arg6[%swap3A_490, %swap3A_491], %swap3A_494 {strides = array<i32>} : memref<8x4096xf32, #tpu.memory_space<vmem>>, vector<1x16xf32>,
                }
                %scan3A_480 = arith.constant 256 : i32
              } else {
              }
            } else {
            }
          }
          %scan3A_149 = arith.constant 8 : i32
        } else {
        }
        %add3A_87 = arith.addi %mul3A_2, %scan3A_26 : i32
        %mul3A_88 = arith.constant 8 : i32
        %mul3A_89 = arith.muli %mul3A_88, %add3A_87 : i32
        %multiple_of3A_90 = tpu.assume_multiple %mul3A_89, 8 : i32
        %dma_start3A_91 = arith.constant 0 : i32
        %dma_start3A_92 = tpu.memref_slice %arg3[%multiple_of3A_90, %dma_start3A_91] : memref<6400x4096xf32, #tpu.memory_space<hbm>> -> memref<8x4096xf32, #tpu.memory_space<hbm>>
        %dma_start3A_93 = arith.constant 0 : i32
        %dma_start3A_94 = tpu.memref_slice %arg3[%multiple_of3A_90, %dma_start3A_93] : memref<6400x4096xf32, #tpu.memory_space<hbm>> -> memref<8x4096xf32, #tpu.memory_space<hbm>>
        tpu.enqueue_dma source(%arg6 : memref<8x4096xf32, #tpu.memory_space<vmem>>) target(%dma_start3A_94 : memref<8x4096xf32, #tpu.memory_space<hbm>>) target_semaphore(%arg10 : memref<!tpu.dma_semaphore, #tpu.memory_space<semaphore_mem>>)
      } else {
      }
    }
    %scan3A_17 = arith.constant 25 : i32
    %add3A_18 = arith.constant 24 : i32
    %add3A_19 = arith.addi %mul3A_2, %add3A_18 : i32
    %mul3A_20 = arith.constant 8 : i32
    %mul3A_21 = arith.muli %mul3A_20, %add3A_19 : i32
    %multiple_of3A_22 = tpu.assume_multiple %mul3A_21, 8 : i32
    %dma_wait3A = arith.constant 0 : i32
    %dma_wait3A_23 = tpu.memref_slice %arg3[%multiple_of3A_22, %dma_wait3A] : memref<6400x4096xf32, #tpu.memory_space<hbm>> -> memref<8x4096xf32, #tpu.memory_space<hbm>>
    %dma_wait3A_24 = arith.constant 0 : i32
    %dma_wait3A_25 = tpu.memref_slice %arg3[%multiple_of3A_22, %dma_wait3A_24] : memref<6400x4096xf32, #tpu.memory_space<hbm>> -> memref<8x4096xf32, #tpu.memory_space<hbm>>
    tpu.wait_dma2 semaphore(%arg10 : memref<!tpu.dma_semaphore, #tpu.memory_space<semaphore_mem>>) src(%arg5 : memref<8x4096xf32, #tpu.memory_space<vmem>>) dst(%dma_wait3A_25 : memref<8x4096xf32, #tpu.memory_space<hbm>>)
    return
  }
}

</mosaic_0001>

<sc_bundles>
// kernel: kernel.3.cloned.1.call-start
scs
__scs_entry_jumppad:
0x0: {  	(pc) =	sbr.rel $0x88, $3  }
0x1: {  	(tag) =	ssettag $0x0;
	lr =	simm.s32 $0x1  }
0x2: {  	[smem:$0x3FA0] =	sst lr;
	_ =	strace $0xD0000000  }
0x3: {  	_ = 	snop  }
0x4: {  	_ = 	snop  }
0x5: {  	_ = 	snop  }
0x6: {  	_ = 	snop  }
0x7: {  	_ = 	snop  }
__scs_overlays_trampoline_lowered:
0x8: {  	[smem:$0x3FAF] =	sst s0  }
0x9: {  	[smem:$0x3FB0] =	sst s1  }
0xa: {  	[smem:$0x3FB1] =	sst s2  }
0xb: {  	[smem:$0x3FB2] =	sst s3  }
0xc: {  	[smem:$0x3FB3] =	sst s4  }
0xd: {  	[smem:$0x3FB4] =	sst s5  }
0xe: {  	[smem:$0x3FB5] =	sst s6  }
0xf: {  	[smem:$0x3FB6] =	sst s7  }
0x10: {  	[smem:$0x3FB7] =	sst s8  }
0x11: {  	[smem:$0x3FB8] =	sst s9;
	s0 =	simm.s32 @!p0 $0x0  }
0x12: {  	s1 =	sld [smem:$0x3F9E];
	s0 =	simm.s32 @p0 $0x1  }
0x13: {  	[smem:$0x3FB9] =	sst s0;
	s0 =	simm.s32 @!p1 $0x0  }
0x14: {  	s2 =	sld [smem:$0x3F9D];
	s0 =	simm.s32 @p1 $0x1  }
0x15: {  	[smem:$0x3FBA] =	sst s0;
	s0 =	simm.s32 @!p2 $0x0  }
0x16: {  	s3 =	sld [smem:$0x3FDB];
	s0 =	simm.s32 @p2 $0x1  }
0x17: {  	s4 =	simm.s32 $0x1BF5;
	[smem:$0x3FBC] =	sst s0  }
0x18: {  	s0 =	sld [smem:$0x3F9F];
	_ =	swait.ge [sflag:s4], $0x0  }
0x19: {  	s7 =	sld [smem:$0x3FA0]  }
0x1a: {  	s8 =	sadd.s32 $0xFFFFE003, lr  }
0x1b: {  	s9 =	sadd.s32 $0xFFFFFEF7, lr;
	s5 =	simm.s32 $0xFFFFFFFF;
	p2 =	slt.u32 s8, $0xFFFFF086  }
0x1c: {  	p1 =	slt.u32 s9, $0xF7A;
	s5 =	simm.s32 @!p2 $0x0  }
0x1d: {  	s5 =	simm.s32 @p1 $0x1;
	p0 =	seq.s32 s7, s2  }
0x1e: {  	s7 =	smul.u32 @!p0 $0xF7A, s2;
	p2 =	seq.s32 @!p0 s5, $0x0  }
0x1f: {  	s9 =	smul.u32 $0xF7A, s1;
	s8 =	simm.s32 @!p0 $0x1BF5;
	p2 =	por !p2, p0  }
0x20: {  	[sflag:s8] =	ssyncset.s32 @!p0 $0xFFFFF086;
	s6 =	sadd.s32 @!p0 s3, s7;
	s7 =	simm.s32 @!p0 $0x108  }
0x21: {  	s3 =	sadd.s32 s3, s9;
	s6 =	sadd.s32 @!p0 $0x88, s6;
	s7 =	simm.s32 @p2 $0x1082  }
0x22: {  	[simem:s7], [sflag:s8] =	dma.local @!p0 [hbm:s6], $0xF7A  }
0x23: {  	s9 =	sor.u32 $0xD0000000, s2;
	s6 =	simm.s32 $0x108;
	_ =	swait.ge @!p0 [sflag:s8], $0x0  }
0x24: {  	s3 =	sadd.s32 $0x88, s3;
	s6 =	simm.s32 @!p1 $0x1082;
	[sflag:s4] =	ssyncset.s32 $0xFFFFF086  }
0x25: {  	[simem:s6], [sflag:s4] =	dma.local [hbm:s3], $0xF7A  }
0x26: {  	[smem:$0x3FA0] =	sst s1;
	(tag) =	ssettag s2;
	_ =	strace s9  }
0x27: {  	s1 =	sld [smem:$0x3FB0]  }
0x28: {  	s2 =	sld [smem:$0x3FB1]  }
0x29: {  	s4 =	sld [smem:$0x3FB3]  }
0x2a: {  	p0 =	seq.s32 s5, $0x0;
	s5 =	sld [smem:$0x3FB4]  }
0x2b: {  	s6 =	sld [smem:$0x3FB5]  }
0x2c: {  	s7 =	sld [smem:$0x3FB6]  }
0x2d: {  	s3 =	simm.s32 $0x108;
	s8 =	sld [smem:$0x3FB7]  }
0x2e: {  	s3 =	simm.s32 @!p0 $0x1082;
	s9 =	sld [smem:$0x3FB8]  }
0x2f: {  	lr =	sadd.s32 s0, s3;
	s0 =	sld [smem:$0x3FAF]  }
0x30: {  	s3 =	sld [smem:$0x3FB2]  }
0x31: {  	[smem:$0x3FBB] =	sst s10  }
0x32: {  	s10 =	sld [smem:$0x3FB9];
	_ =	sdelay $0x3  }
0x33: {  	p0 =	seq.s32 s10, $0x1;
	s10 =	sld [smem:$0x3FBB];
	_ =	sdelay $0x3  }
0x34: {  	[smem:$0x3FBB] =	sst s10  }
0x35: {  	s10 =	sld [smem:$0x3FBA];
	_ =	sdelay $0x3  }
0x36: {  	p1 =	seq.s32 s10, $0x1;
	s10 =	sld [smem:$0x3FBB];
	_ =	sdelay $0x3  }
0x37: {  	[smem:$0x3FBB] =	sst s10  }
0x38: {  	s10 =	sld [smem:$0x3FBC]  }
0x39: {  	_ = 	snop;
	(pc) =	sbr.ind lr, $3  }
0x3a: {  	_ = 	snop  }
0x3b: {  	_ = 	snop  }
0x3c: {  	p2 =	seq.s32 s10, $0x1;
	s10 =	sld [smem:$0x3FBB]  }
0x3d: {  	_ =	shalt  }
0x3e: {  	_ =	shalt  }
0x3f: {  	_ =	shalt  }
0x40: {  	_ =	shalt  }
0x41: {  	_ =	shalt  }
0x42: {  	_ =	shalt  }
0x43: {  	_ =	shalt  }
0x44: {  	_ =	shalt  }
0x45: {  	_ =	shalt  }
0x46: {  	_ =	shalt  }
0x47: {  	_ =	shalt  }
0x48: {  	_ =	shalt  }
0x49: {  	_ =	shalt  }
0x4a: {  	_ =	shalt  }
0x4b: {  	_ =	shalt  }
0x4c: {  	_ =	shalt  }
0x4d: {  	_ =	shalt  }
0x4e: {  	_ =	shalt  }
0x4f: {  	_ =	shalt  }
0x50: {  	_ =	shalt  }
0x51: {  	_ =	shalt  }
0x52: {  	_ =	shalt  }
0x53: {  	_ =	shalt  }
0x54: {  	_ =	shalt  }
0x55: {  	_ =	shalt  }
0x56: {  	_ =	shalt  }
0x57: {  	_ =	shalt  }
0x58: {  	_ =	shalt  }
0x59: {  	_ =	shalt  }
0x5a: {  	_ =	shalt  }
0x5b: {  	_ =	shalt  }
0x5c: {  	_ =	shalt  }
0x5d: {  	_ =	shalt  }
0x5e: {  	_ =	shalt  }
0x5f: {  	_ =	shalt  }
0x60: {  	_ =	shalt  }
0x61: {  	_ =	shalt  }
0x62: {  	_ =	shalt  }
0x63: {  	_ =	shalt  }
0x64: {  	_ =	shalt  }
0x65: {  	_ =	shalt  }
0x66: {  	_ =	shalt  }
0x67: {  	_ =	shalt  }
0x68: {  	_ =	shalt  }
0x69: {  	_ =	shalt  }
0x6a: {  	_ =	shalt  }
0x6b: {  	_ =	shalt  }
0x6c: {  	_ =	shalt  }
0x6d: {  	_ =	shalt  }
0x6e: {  	_ =	shalt  }
0x6f: {  	_ =	shalt  }
0x70: {  	_ =	shalt  }
0x71: {  	_ =	shalt  }
0x72: {  	_ =	shalt  }
0x73: {  	_ =	shalt  }
0x74: {  	_ =	shalt  }
0x75: {  	_ =	shalt  }
0x76: {  	_ =	shalt  }
0x77: {  	_ =	shalt  }
0x78: {  	_ =	shalt  }
0x79: {  	_ =	shalt  }
0x7a: {  	_ =	shalt  }
0x7b: {  	_ =	shalt  }
0x7c: {  	_ =	shalt  }
0x7d: {  	_ =	shalt  }
0x7e: {  	_ =	shalt  }
0x7f: {  	_ =	shalt  }
0x80: {  	_ =	shalt  }
0x81: {  	_ =	shalt  }
0x82: {  	_ =	shalt  }
0x83: {  	_ =	shalt  }
0x84: {  	_ =	shalt  }
0x85: {  	_ =	shalt  }
0x86: {  	_ =	shalt  }
0x87: {  	_ =	shalt  }
.Lfunc_end0:
.L_simem_size_0:
called_computation_lowered:
.L_overlay_start_0:
0x88: {  	s2 =	sld [smem:$0x3FD9]  }
0x89: {  	s3 =	sld [smem:$0x3FFE];
	_ =	sdelay $0x1  }
0x8a: {  	s1 =	srdreg.scid  }
0x8b: {  	s0 =	sand.u32 $0x1, s1  }
0x8c: {  	s18 =	sshll.u32 s0, $0xA;
	s2 =	sadd.s32 s3, s2  }
0x8d: {  	s2 =	sadd.s32 s2, s18  }
0x8e: {  	[smem:$0x3FC7] =	sst s2  }
0x8f: {  	_ = 	snop  }
0x90: {  	s2 =	sld [smem:$0x3FC9]  }
0x91: {  	s19 =	sld [smem:$0x3FD0];
	(tm) =	ssettm $0x1  }
0x92: {  	s4 =	sld [smem:$0x3FFB];
	_ =	sdelay $0x3  }
0x93: {  	_ =	strace s4  }
0x94: {  	s4 =	sld [smem:$0x3FFC];
	_ =	sdelay $0x3  }
0x95: {  	_ =	strace s4  }
0x96: {  	s4 =	sld [smem:$0x3FFD];
	_ =	sdelay $0x3  }
0x97: {  	_ =	strace s4  }
0x98: {  	_ =	strace $0x8FFFFFFF  }
0x99: {  	s20 =	sld [smem:$0x3FDB];
	_ =	sdelay $0x1  }
0x9a: {  	s5 =	simm.s32 $_scs_section_size  }
0x9b: {  	s6 =	simm.s32 $_size__tile_overlayer_lowered;
	s7 =	simm.s32 $_tile_overlayer_lowered  }
0x9c: {  	s23 =	simm.s32 $0x1BFF;
	s22 =	sshll.u32 s7, $0x1;
	s4 =	sadd.s32 s5, s20  }
0x9d: {  	s8 =	simm.s32 $0x0;
	s21 =	sshll.u32 s6, $0x1;
	s6 =	sadd.s32 s22, s4  }
0x9e: {  	[timem:s8], [sflag:s23] =	dma.local [hbm:s6], s21  }
0x9f: {  	_ =	swait.ge [sflag:s23], s21  }
0xa0: {  	s5 =	ssub.s32 $0x0, s21;
	[sflag:s23] =	ssyncset.done $0x0  }
0xa1: {  	[sflag:s23] =	ssyncadd.s32 s5;
	_ =	sdelay $0x1  }
0xa2: {  	s24 =	simm.s32 $0x1B8B  }
0xa3: {  	_ =	swait.ge [sflag:s24], $0x1  }
0xa4: {  	[sflag:s24] =	ssyncset.done $0x0  }
0xa5: {  	s25 =	simm.s32 $0x1B8E;
	[sflag:s24] =	ssyncadd.s32 $0xFFFFFFFF  }
0xa6: {  	s26 =	simm.s32 $execute0_lowered;
	[smem:$0x3FD2] =	sst s25  }
0xa7: {  	s5 =	sshll.u32 s26, $0x1;
	_ =	strace $0x80000046;
	[dreg:$0x1] =	wrdreg $0xFFFFFFFF  }
0xa8: {  	s28 =	simm.s32 $_size_execute0_lowered;
	s4 =	sadd.s32 s4, s5;
	[dreg:$0x0] =	wrdreg $0x0  }
0xa9: {  	s5 =	sshll.u32 s28, $0x1;
	[dreg:$0x2] =	wrdreg s4  }
0xaa: {  	[dreg:$0x3] =	wrdreg s5  }
0xab: {  	[dreg:$0x4] =	wrdreg $0xC0  }
0xac: {  	_ =	task [dreg:s8], $0x5FFFF  }
0xad: {  	[dreg:$0x1] =	wrdreg $0xFFFFFFFF  }
0xae: {  	[dreg:$0x0] =	wrdreg $0x60  }
0xaf: {  	[dreg:$0x2] =	wrdreg s2  }
0xb0: {  	[dreg:$0x3] =	wrdreg s19  }
0xb1: {  	[dreg:$0x4] =	wrdreg $0x9  }
0xb2: {  	_ =	task.clear_ibuf [dreg:s8], $0x5FFFF;
	_ =	strace $0x90000046  }
0xb3: {  	s29 =	simm.s32 $0x9;
	_ =	strace $0x80000048  }
0xb4: {  	_ =	swait.ge [sflag:s29], $0x1  }
0xb5: {  	[sflag:s29] =	ssyncadd.s32 $0xFFFFFFFF  }
0xb6: {  	_ =	strace $0x90000048  }
0xb7: {  	_ =	sfence  }
0xb8: {  	s30 =	sld [smem:$0x0];
	_ =	sdelay $0x2  }
0xb9: {  	s31 =	sshll.u32 s1, $0xD;
	s1 =	sshrl.u32 s1, $0x2  }
0xba: {  	s3 =	sand.u32 $0x4000, s31;
	s1 =	sadd.s32 s1, s30  }
0xbb: {  	s0 =	sor.u32 s3, s0;
	s1 =	sshll.u32 s1, $0x11  }
0xbc: {  	s0 =	sor.u32 s1, s0  }
0xbd: {  	s0 =	sadd.s32 $0x8F2B, s0  }
0xbe: {  	[sflag:s0] =	ssyncadd.remote.s32 $0x1  }
0xbf: {  	_ =	sfence.sel $0xFFFF  }
0xc0: {  	[dreg:$0x0] =	wrdreg $0xFFFFFFFF;
	(pc) =	sbr.abs _section_cstart, $3  }
0xc1: {  	[dreg:$0x1] =	wrdreg $0xFFFFFFFF  }
0xc2: {  	_ =	task.clear_ibuf [dreg:s8], $0x2FFFF;
	_ =	strace $0x9FFFFFFF  }
0xc3: {  	(tm) =	ssettm $0x7FFFFFFF  }
tec
execute0_lowered:
.L_overlay_start_1:
0x0: {  	(tag) =	ssettag $0x1  }
0x1: {  	v0 =	vimm.s32 $0xFEDCBA98  }
0x2: {  	s1 =	srdreg.scid;
	v1 =	vimm.s32 $0x76543210;
	v2 =	vimm.s32 $0xBA98FEDC;
	v3 =	vimm.s32 $0x32107654  }
0x3: {  	s0 =	stileid.u32;
	s3 =	rddreg [dreg:$0x1];
	s4 =	simm.s32 $0x0;
	v4 =	vimm.s32 $0xDCFE98BA;
	v5 =	vimm.s32 $0x54761032;
	v6 =	vimm.s32 $0xEFCDAB89  }
0x4: {  	v7 =	vimm.s32 $0x67452301;
	s10 =	simm.s32 $0x6400;
	s11 =	simm.s32 $0x1;
	s12 =	simm.s32 $0x2;
	v0 =	vunpack.c.l.s4.s8 v0;
	v1 =	vunpack.c.l.s4.s8 v1  }
0x5: {  	s13 =	simm.s32 $0x16400;
	s14 =	simm.s32 $0x3;
	s15 =	simm.s32 $0xE400;
	v2 =	vunpack.c.l.s4.s8 v2;
	v3 =	vunpack.c.l.s4.s8 v3;
	v4 =	vunpack.c.l.s4.s8 v4  }
0x6: {  	s16 =	simm.s32 $0x0;
	s6 =	sand.u32 $0x1, s1;
	s30 =	sshll.u32 s0, $0x1;
	v5 =	vunpack.c.l.s4.s8 v5;
	v6 =	vunpack.c.l.s4.s8 v6;
	v7 =	vunpack.c.l.s4.s8 v7  }
.Ltmp0:
0x7: {  	s1 =	rddreg [dreg:$0x0];
	s5 =	sor.u32 s6, s30;
	v0 =	vunpack.c.0.s8.s32 v0;
	v1 =	vunpack.c.0.s8.s32 v1;
	v2 =	vunpack.c.0.s8.s32 v2;
	(pc) =	sbr.rel .LBB2_1-.Ltmp0, $4  }
0x8: {  	[smem:$0x7FF] =	sst s4;
	s6 =	ssub.s32 $0x2, s6;
	s7 =	smul.u32 $0x19000, s5;
	v3 =	vunpack.c.0.s8.s32 v3;
	v4 =	vunpack.c.0.s8.s32 v4;
	v5 =	vunpack.c.0.s8.s32 v5  }
0x9: {  	_ =	strace $0x80000047;
	s2 =	smul.u32 $0x19, s5;
	s8 =	sshrl.u32 s6, $0x1;
	v6 =	vunpack.c.0.s8.s32 v6;
	v7 =	vunpack.c.0.s8.s32 v7;
	v0 =	vand.u32 $0xF, v0  }
0xa: {  	s9 =	ssub.s32 s6, s8;
	s8 =	sadd.s32 $0x51000, s1;
	s31 =	sadd.s32 s1, s7;
	v0 =	vcombine.low v0, v1;
	v1 =	vcombine.low v3, v2  }
0xb: {  	s7 =	sadd.s32 $0x1, s2;
	s9 =	smax.u32 s9, $0x1;
	[dreg:$0x3] =	wrdreg s31;
	v2 =	vcombine.low v5, v4;
	v3 =	vcombine.low v7, v6  }
.LBB2_28:
0xc: {  	s16 =	sadd.s32 $0x1, s16  }
0xd: {  	p0 =	sne.s32 s16, s9  }
.Ltmp1:
0xe: {  	_ = 	snop;
	(pc) =	sbr.rel @!p0 .LBB2_29-.Ltmp1, $4  }
0xf: {  	_ = 	snop  }
0x10: {  	_ =	swait.ge [sflag:s12], $0x8000  }
0x11: {  	[sflag:s12] =	ssyncset.done $0x0  }
0x12: {  	[sflag:s12] =	ssyncadd.s32 $0xFFFF8000  }
.LBB2_1:
.Ltmp2:
0x13: {  	(pc) =	sbr.rel .LBB2_2-.Ltmp2, $4  }
0x14: {  	_ = 	snop  }
0x15: {  	s0 =	rddreg [dreg:$0x3];
	s22 =	simm.s32 $0xFFFFFFFF  }
0x16: {  	[tilespmem:s10], [sflag:$0x1] =	stream.linear.gather [hbm4b:s0+s4], $0x8000, $0x38;
	[tilespmem:$0x1E400] =	vst v63  }
0x17: {  	s17 =	simm.s32 $0x0;
	[smem:$0x0] =	sst s22  }
.LBB2_25:
0x18: {  	s22 =	smov.u32 s19  }
.LBB2_26:
0x19: {  	s0 =	sshll.u32 s18, $0xC  }
0x1a: {  	s0 =	sadd.s32 s3, s0  }
0x1b: {  	[hbm4b:s0+s4] =	stream.linear.scatter [tilespmem:s15], [sflag:$0x2], $0x8000, $0x38;
	[tilespmem:$0x1E400] =	vst v63  }
.LBB2_27:
0x1c: {  	s17 =	sadd.s32 $0x1, s17  }
0x1d: {  	p0 =	sne.s32 s17, $0x19  }
.Ltmp3:
0x1e: {  	_ = 	snop;
	(pc) =	sbr.rel @!p0 .LBB2_28-.Ltmp3, $1  }
0x1f: {  	_ =	sdelay $0x3  }
.LBB2_2:
0x20: {  	s20 =	sand.u32 $0x1, s17  }
0x21: {  	p0 =	seq.s32 s20, $0x1  }
.Ltmp4:
0x22: {  	_ = 	snop;
	(pc) =	sbr.rel @p0 .LBB2_15-.Ltmp4, $3  }
0x23: {  	_ =	sdelay $0x1  }
0x24: {  	s18 =	sadd.s32 s2, s17  }
0x25: {  	s19 =	sshll.u32 s18, $0x3  }
0x26: {  	_ =	swait.ge [sflag:s11], $0x8000  }
0x27: {  	p0 =	seq.s32 s17, $0x0;
	[sflag:s11] =	ssyncset.done $0x0  }
0x28: {  	s21 =	simm.s32 @!p0 $0x2;
	[sflag:s11] =	ssyncadd.s32 $0xFFFF8000  }
0x29: {  	_ =	swait.ge @!p0 [sflag:s21], $0x8000  }
0x2a: {  	s31 =	sadd.s32 $0xFFFFFFF8, s18;
	p1 =	seq.s32 @!p0 s17, $0x18;
	[sflag:s21] =	ssyncset.done @!p0 $0x0  }
0x2b: {  	p1 =	por p0, !p1;
	[sflag:s21] =	ssyncadd.s32 @!p0 $0xFFFF8000;
	p0 =	sgt.u32 s31, $0x30F  }
.Ltmp5:
0x2c: {  	s21 =	sadd.s32 @p1 s17, s7;
	(pc) =	sbr.rel @p0 .LBB2_14-.Ltmp5, $4  }
0x2d: {  	s21 =	sshll.u32 @p1 s21, $0xC  }
0x2e: {  	s21 =	sand.u32 @p1 $0x1FFFF000, s21  }
0x2f: {  	s21 =	sadd.s32 @p1 s1, s21  }
0x30: {  	[tilespmem:s15], [sflag:$0x1] =	stream.linear.gather @p1 [hbm4b:s21+s4], $0x8000, $0x38;
	[tilespmem:$0x1E400] =	vst v63  }
0x31: {  	s23 =	sadd.s32 $0xFFFFFFC0, s19  }
0x32: {  	s21 =	smulhi.u32 $0x5397829D, s23;
	s24 =	sshra.s32 s23, $0x1F  }
0x33: {  	s24 =	smul.u32 $0x5397829D, s24;
	_ =	sdelay $0x1  }
0x34: {  	s21 =	sadd.s32 s24, s21  }
0x35: {  	s24 =	sshrl.u32 s21, $0x1F;
	s21 =	sshra.s32 s21, $0x9  }
0x36: {  	s21 =	sadd.s32 s24, s21  }
0x37: {  	s24 =	smul.u32 $0xFFFFF9E0, s21  }
0x38: {  	s25 =	ssub.s32 $0x40, s19  }
0x39: {  	p0 =	slt.u32 s18, $0x9;
	p1 =	sne.s32 s24, s25  }
0x3a: {  	p0 =	por !p0, !p1  }
0x3b: {  	s24 =	simm.s32 $0x1;
	p0 =	por !p0, !p0  }
0x3c: {  	s24 =	simm.s32 @!p0 $0x0  }
0x3d: {  	s21 =	ssub.s32 s21, s24  }
0x3e: {  	p0 =	seq.s32 s22, s21  }
0x3f: {  	s24 =	smul.u32 @!p0 $0xC4000, s21  }
0x40: {  	s25 =	simm.s32 @!p0 $0x400  }
0x41: {  	s26 =	simm.s32 @!p0 $0x8000;
	s28 =	simm.s32 @!p0 $0x0;
	s24 =	sadd.s32 @!p0 s24, s8  }
0x42: {  	[tilespmem:s28], [sflag:$0x4] =	stream.strided.gather @!p0 [hbm4b:s24+s25], $0x6400, s26, s25, $0x38;
	[tilespmem:$0x1E400] =	vst v63  }
0x43: {  	s24 =	simm.s32 @!p0 $0x4  }
.Ltmp6:
0x44: {  	_ =	swait.ge @!p0 [sflag:s24], $0x6400;
	(pc) =	sbr.rel .LBB2_5-.Ltmp6, $4  }
0x45: {  	s30 =	smul.u32 $0x620, s21;
	[sflag:s24] =	ssyncset.done @!p0 $0x0  }
0x46: {  	s31 =	smul.u32 $0xFFFFF9E0, s21;
	[sflag:s24] =	ssyncadd.s32 @!p0 $0xFFFF9C00  }
0x47: {  	s24 =	simm.s32 $0x0;
	[smem:$0x0] =	sst @!p0 s21  }
0x48: {  	s21 =	smov.u32 @p0 s22;
	s22 =	sadd.s32 s23, s31;
	s23 =	sadd.s32 $0x28C, s30  }
.LBB2_11:
0x49: {  	s0 =	sadd.s32 s31, s25  }
0x4a: {  	s0 =	sadd.s32 s28, s0  }
0x4b: {  	[tilespmem:s0+$0x0] =	vst v4  }
.LBB2_12:
0x4c: {  	s24 =	sadd.s32 $0x1, s24  }
0x4d: {  	p0 =	sne.s32 s24, $0x8  }
.Ltmp7:
0x4e: {  	_ = 	snop;
	(pc) =	sbr.rel @!p0 .LBB2_13-.Ltmp7, $1  }
0x4f: {  	_ =	sdelay $0x3  }
.LBB2_5:
0x50: {  	s28 =	sadd.s32 s22, s24  }
0x51: {  	s25 =	smulhi.u32 $0x5397829D, s28;
	s26 =	sshra.s32 s28, $0x1F  }
0x52: {  	s26 =	smul.u32 $0x5397829D, s26;
	_ =	sdelay $0x1  }
0x53: {  	s25 =	sadd.s32 s26, s25  }
0x54: {  	s26 =	sshrl.u32 s25, $0x1F;
	s25 =	sshra.s32 s25, $0x6  }
0x55: {  	s29 =	sadd.s32 s26, s25  }
0x56: {  	s25 =	smul.u32 $0xFFFFFF3C, s29;
	_ =	sdelay $0x1  }
0x57: {  	s26 =	sadd.s32 s28, s25  }
0x58: {  	s31 =	sshll.u32 s24, $0x9;
	p1 =	slt.s32 s26, $0x0;
	s25 =	sadd.s32 $0xC4, s26  }
0x59: {  	p0 =	sne.s32 s26, $0x0;
	s26 =	smov.u32 @p1 s25;
	s25 =	sshra.s32 s31, $0x2  }
0x5a: {  	s30 =	sshll.u32 s26, $0x9;
	v4 =	vld [tilespmem:s25+$0x6400]  }
0x5b: {  	v6 =	vld [tilespmem:s25+$0x6410];
	s30 =	sshra.s32 s30, $0x2  }
0x5c: {  	v5 =	vld [tilespmem:s30+$0x200]  }
0x5d: {  	v7 =	vld [tilespmem:s30+$0x210]  }
0x5e: {  	v8 =	vld [tilespmem:s25+$0x6420]  }
0x5f: {  	v9 =	vld [tilespmem:s30+$0x220]  }
0x60: {  	v10 =	vld [tilespmem:s25+$0x6430]  }
0x61: {  	v11 =	vld [tilespmem:s30+$0x230]  }
0x62: {  	v56 =	vld [tilespmem:s25+$0x6440];
	v4 =	vsub.f32 v4, v5;
	v5 =	vsub.f32 v6, v7  }
0x63: {  	v57 =	vld [tilespmem:s30+$0x240]  }
0x64: {  	v58 =	vld [tilespmem:s25+$0x6450];
	v8 =	vsub.f32 v8, v9;
	v4 =	vand.u32 $0x7FFFFFFF, v4;
	v5 =	vand.u32 $0x7FFFFFFF, v5  }
0x65: {  	v4 =	vadd.f32 v5, v4;
	v5 =	vld [tilespmem:s30+$0x250]  }
0x66: {  	v59 =	vld [tilespmem:s25+$0x6460];
	v10 =	vsub.f32 v10, v11;
	v8 =	vand.u32 $0x7FFFFFFF, v8  }
0x67: {  	v60 =	vld [tilespmem:s30+$0x260];
	v4 =	vadd.f32 v8, v4  }
0x68: {  	v62 =	vld [tilespmem:s25+$0x6470];
	v6 =	vsub.f32 v56, v57;
	v61 =	vand.u32 $0x7FFFFFFF, v10  }
0x69: {  	v12 =	vld [tilespmem:s30+$0x270];
	v4 =	vadd.f32 v61, v4  }
0x6a: {  	v6 =	vand.u32 $0x7FFFFFFF, v6;
	v5 =	vsub.f32 v58, v5  }
0x6b: {  	v4 =	vadd.f32 v6, v4  }
0x6c: {  	v63 =	vsub.f32 v59, v60;
	v5 =	vand.u32 $0x7FFFFFFF, v5  }
0x6d: {  	v4 =	vadd.f32 v5, v4  }
0x6e: {  	v6 =	vand.u32 $0x7FFFFFFF, v63;
	v5 =	vsub.f32 v62, v12  }
0x6f: {  	v4 =	vadd.f32 v6, v4  }
0x70: {  	v5 =	vand.u32 $0x7FFFFFFF, v5  }
0x71: {  	v4 =	vadd.f32 v5, v4;
	_ =	sdelay $0x1  }
0x72: {  	v5 =	vperm.xlane v4, v0;
	_ =	sdelay $0x1  }
0x73: {  	v4 =	vadd.f32 v4, v5;
	_ =	sdelay $0x1  }
0x74: {  	v5 =	vperm.xlane v4, v1;
	_ =	sdelay $0x1  }
0x75: {  	v4 =	vadd.f32 v4, v5;
	_ =	sdelay $0x1  }
0x76: {  	v5 =	vperm.xlane v4, v2;
	_ =	sdelay $0x1  }
0x77: {  	v4 =	vadd.f32 v4, v5;
	_ =	sdelay $0x1  }
0x78: {  	v5 =	vperm.xlane v4, v3;
	_ =	sdelay $0x1  }
0x79: {  	v4 =	vadd.f32 v4, v5;
	_ =	sdelay $0x1  }
0x7a: {  	(v2sf) =	vpush v4, $0x0;
	_ =	sdelay $0x9  }
0x7b: {  	p6 =	slt.s32 s28, $0x1  }
0x7c: {  	p0 =	por !p6, !p0  }
0x7d: {  	s28 =	simm.s32 $0x1;
	p0 =	por !p0, !p0  }
0x7e: {  	s28 =	simm.s32 @!p0 $0x0  }
0x7f: {  	s28 =	ssub.s32 s29, s28  }
0x80: {  	p0 =	seq.s32 s28, $0x3;
	s29 =	spop (v2sf)  }
0x81: {  	p1 =	slt.f32 @!p0 s29, $5.000000000e+01;
	_ =	sdelay $0x1  }
0x82: {  	p0 =	por p0, !p1  }
.Ltmp8:
0x83: {  	_ = 	snop;
	(pc) =	sbr.rel @p0 .LBB2_12-.Ltmp8, $1  }
0x84: {  	_ =	sdelay $0x3  }
0x85: {  	s26 =	sadd.s32 s26, s23  }
0x86: {  	s28 =	sand.u32 $0x7, s26  }
0x87: {  	s29 =	sshra.s32 s26, $0x1F;
	p0 =	slt.s32 s26, $0x1;
	p1 =	sne.s32 s28, $0x0  }
0x88: {  	s28 =	sshrl.u32 s29, $0x1D;
	p0 =	por !p0, !p1  }
0x89: {  	s29 =	simm.s32 $0x1;
	s28 =	sadd.s32 s28, s26;
	p0 =	por !p0, !p0  }
0x8a: {  	s28 =	sshra.s32 s28, $0x3;
	s29 =	simm.s32 @!p0 $0x0  }
0x8b: {  	s28 =	ssub.s32 s28, s29  }
0x8c: {  	s29 =	sshll.u32 s28, $0xC  }
0x8d: {  	s29 =	sand.u32 $0x1FFFF000, s29  }
0x8e: {  	s30 =	simm.s32 $0x0;
	s29 =	sadd.s32 s1, s29  }
0x8f: {  	[tilespmem:s13], [sflag:$0x3] =	stream.linear.gather [hbm4b:s29+s30], $0x8000, $0x38;
	[tilespmem:$0x1E400] =	vst v63  }
0x90: {  	s28 =	sshll.u32 s28, $0xF;
	s29 =	sshll.u32 s26, $0xC  }
0x91: {  	s25 =	sadd.s32 $0x6400, s25;
	s26 =	sshll.u32 s26, $0x7;
	s28 =	ssub.s32 s29, s28  }
0x92: {  	_ =	swait.ge [sflag:s14], $0x8000;
	s26 =	sand.u32 $0x380, s26;
	s28 =	sand.u32 $0xFFFF8000, s28  }
0x93: {  	s29 =	sand.u32 $0x70, s30;
	s26 =	sor.u32 s26, s28;
	s28 =	sand.u32 $0x7C00, s30  }
0x94: {  	[sflag:s14] =	ssyncset.done $0x0;
	s26 =	sadd.s32 $0x16400, s26;
	s6 =	sadd.s32 s28, s25  }
0x95: {  	[sflag:s14] =	ssyncadd.s32 $0xFFFF8000;
	s30 =	sadd.s32 s29, s6;
	s28 =	sadd.s32 s28, s26  }
0x96: {  	v4 =	vld [tilespmem:s30+$0x0];
	s28 =	sadd.s32 s29, s28  }
0x97: {  	v5 =	vld [tilespmem:s28+$0x0]  }
0x98: {  	s28 =	simm.s32 $0x80  }
0x99: {  	s29 =	simm.s32 $0x10;
	s28 =	sand.u32 $0x7C00, s28  }
0x9a: {  	s29 =	sand.u32 $0x70, s29;
	s31 =	sadd.s32 s28, s25;
	s28 =	sadd.s32 s28, s26  }
0x9b: {  	s30 =	sadd.s32 s29, s31;
	s29 =	sadd.s32 s29, s28  }
0x9c: {  	v6 =	vld [tilespmem:s29+$0x0];
	v7 =	vsub.f32 v4, v5  }
0x9d: {  	v5 =	vld [tilespmem:s30+$0x0]  }
0x9e: {  	s28 =	simm.s32 $0x20;
	s29 =	simm.s32 $0x100;
	v4 =	vimm.f32 $0.0e+00;
	v7 =	vand.u32 $0x7FFFFFFF, v7  }
.LBB2_7:
0x9f: {  	s30 =	sand.u32 $0x70, s28;
	s31 =	sand.u32 $0x7C00, s29;
	v4 =	vadd.f32 v7, v4;
	p0 =	sne.s32 s28, $0xFF0  }
.Ltmp9:
0xa0: {  	s28 =	sadd.s32 $0x10, s28;
	s5 =	sadd.s32 s31, s25;
	(pc) =	sbr.rel @p0 .LBB2_7-.Ltmp9, $4  }
0xa1: {  	s31 =	sadd.s32 s31, s26;
	s5 =	sadd.s32 s30, s5  }
0xa2: {  	s30 =	sadd.s32 s30, s31;
	v7 =	vsub.f32 v5, v6;
	v5 =	vld [tilespmem:s5+$0x0]  }
0xa3: {  	v6 =	vld [tilespmem:s30+$0x0]  }
0xa4: {  	s29 =	sadd.s32 $0x80, s29;
	v7 =	vand.u32 $0x7FFFFFFF, v7  }
0xa5: {  	_ =	sdelay $0x2  }
0xa6: {  	v5 =	vsub.f32 v5, v6  }
0xa7: {  	v4 =	vadd.f32 v7, v4  }
0xa8: {  	v5 =	vand.u32 $0x7FFFFFFF, v5  }
0xa9: {  	v4 =	vadd.f32 v5, v4;
	_ =	sdelay $0x1  }
0xaa: {  	v5 =	vperm.xlane v4, v0;
	_ =	sdelay $0x1  }
0xab: {  	v4 =	vadd.f32 v5, v4;
	_ =	sdelay $0x1  }
0xac: {  	v5 =	vperm.xlane v4, v1;
	_ =	sdelay $0x1  }
0xad: {  	v4 =	vadd.f32 v5, v4;
	_ =	sdelay $0x1  }
0xae: {  	v5 =	vperm.xlane v4, v2;
	_ =	sdelay $0x1  }
0xaf: {  	v4 =	vadd.f32 v5, v4;
	_ =	sdelay $0x1  }
0xb0: {  	v5 =	vperm.xlane v4, v3;
	_ =	sdelay $0x1  }
0xb1: {  	v4 =	vadd.f32 v5, v4;
	_ =	sdelay $0x1  }
0xb2: {  	(v2sf) =	vpush v4, $0x0;
	_ =	sdelay $0xe  }
0xb3: {  	s5 =	spop (v2sf)  }
0xb4: {  	p0 =	slt.f32 s5, $5.000000000e+01  }
.Ltmp10:
0xb5: {  	_ = 	snop;
	(pc) =	sbr.rel @!p0 .LBB2_12-.Ltmp10, $2  }
0xb6: {  	_ =	sdelay $0x2  }
0xb7: {  	s28 =	simm.s32 $0x0  }
0xb8: {  	s31 =	sand.u32 $0x7C00, s28  }
0xb9: {  	s28 =	sand.u32 $0x70, s28;
	s5 =	sadd.s32 s31, s26  }
0xba: {  	s5 =	sadd.s32 s28, s5  }
0xbb: {  	v4 =	vld [tilespmem:s5+$0x0]  }
0xbc: {  	s29 =	simm.s32 $0x10;
	s30 =	simm.s32 $0x80  }
.LBB2_10:
0xbd: {  	s5 =	sand.u32 $0x7C00, s30;
	s0 =	smov.u32 s29;
	p0 =	sne.s32 s29, $0xFF0  }
.Ltmp11:
0xbe: {  	s29 =	sadd.s32 $0x10, s29;
	s31 =	sadd.s32 s31, s25;
	(pc) =	sbr.rel @p0 .LBB2_10-.Ltmp11, $4  }
0xbf: {  	s6 =	sadd.s32 s5, s26;
	s31 =	sadd.s32 s28, s31;
	s28 =	sand.u32 $0x70, s0  }
0xc0: {  	s0 =	sadd.s32 s28, s6;
	[tilespmem:s31+$0x0] =	vst v4;
	s31 =	smov.u32 s5  }
0xc1: {  	v4 =	vld [tilespmem:s0+$0x0]  }
0xc2: {  	s30 =	sadd.s32 $0x80, s30  }
.Ltmp12:
0xc3: {  	_ = 	snop;
	(pc) =	sbr.rel .LBB2_11-.Ltmp12, $1  }
0xc4: {  	_ =	sdelay $0x3  }
.LBB2_13:
0xc5: {  	s22 =	smov.u32 s21  }
.LBB2_14:
0xc6: {  	p0 =	seq.s32 s20, $0x0  }
.Ltmp13:
0xc7: {  	_ = 	snop;
	(pc) =	sbr.rel @p0 .LBB2_27-.Ltmp13, $4  }
0xc8: {  	_ = 	snop  }
0xc9: {  	s0 =	sshll.u32 s18, $0xC  }
0xca: {  	s0 =	sadd.s32 s3, s0  }
0xcb: {  	[hbm4b:s0+s4] =	stream.linear.scatter [tilespmem:s10], [sflag:$0x2], $0x8000, $0x38;
	[tilespmem:$0x1E400] =	vst v63  }
.LBB2_15:
0xcc: {  	_ =	swait.ge [sflag:s11], $0x8000  }
0xcd: {  	p0 =	seq.s32 s17, $0x18;
	[sflag:s11] =	ssyncset.done $0x0  }
0xce: {  	s0 =	sadd.s32 @!p0 s17, s7;
	[sflag:s11] =	ssyncadd.s32 $0xFFFF8000  }
0xcf: {  	s31 =	sadd.s32 $0xFFFFFFF8, s18;
	s0 =	sshll.u32 @!p0 s0, $0xC;
	_ =	swait.ge [sflag:s12], $0x8000  }
0xd0: {  	s5 =	simm.s32 @!p0 $0x0;
	s0 =	sand.u32 @!p0 $0x1FFFF000, s0;
	[sflag:s12] =	ssyncset.done $0x0  }
0xd1: {  	s6 =	simm.s32 @!p0 $0x6400;
	s0 =	sadd.s32 @!p0 s1, s0;
	[sflag:s12] =	ssyncadd.s32 $0xFFFF8000  }
0xd2: {  	[tilespmem:s6], [sflag:$0x1] =	stream.linear.gather @!p0 [hbm4b:s0+s5], $0x8000, $0x38;
	[tilespmem:$0x1E400] =	vst v63  }
0xd3: {  	p0 =	sgt.u32 s31, $0x30F  }
.Ltmp14:
0xd4: {  	_ = 	snop;
	(pc) =	sbr.rel @p0 .LBB2_26-.Ltmp14, $1  }
0xd5: {  	_ =	sdelay $0x3  }
0xd6: {  	s0 =	sadd.s32 $0xFFFFFFC0, s19  }
0xd7: {  	s5 =	smulhi.u32 $0x5397829D, s0;
	s6 =	sshra.s32 s0, $0x1F  }
0xd8: {  	s6 =	smul.u32 $0x5397829D, s6;
	_ =	sdelay $0x1  }
0xd9: {  	s5 =	sadd.s32 s6, s5  }
0xda: {  	s6 =	sshrl.u32 s5, $0x1F;
	s5 =	sshra.s32 s5, $0x9  }
0xdb: {  	s5 =	sadd.s32 s6, s5  }
0xdc: {  	s6 =	smul.u32 $0xFFFFF9E0, s5  }
0xdd: {  	s29 =	ssub.s32 $0x40, s19  }
0xde: {  	p0 =	slt.u32 s18, $0x9;
	p1 =	sne.s32 s6, s29  }
0xdf: {  	p0 =	por !p0, !p1  }
0xe0: {  	s6 =	simm.s32 $0x1;
	p0 =	por !p0, !p0  }
0xe1: {  	s6 =	simm.s32 @!p0 $0x0  }
0xe2: {  	s19 =	ssub.s32 s5, s6  }
0xe3: {  	p0 =	seq.s32 s22, s19  }
0xe4: {  	s5 =	smul.u32 @!p0 $0xC4000, s19  }
0xe5: {  	s6 =	simm.s32 @!p0 $0x400  }
0xe6: {  	s20 =	simm.s32 @!p0 $0x8000;
	s21 =	simm.s32 @!p0 $0x0;
	s5 =	sadd.s32 @!p0 s5, s8  }
0xe7: {  	[tilespmem:s21], [sflag:$0x4] =	stream.strided.gather @!p0 [hbm4b:s5+s6], $0x6400, s20, s6, $0x38;
	[tilespmem:$0x1E400] =	vst v63  }
.Ltmp15:
0xe8: {  	s5 =	simm.s32 @!p0 $0x4;
	(pc) =	sbr.rel .LBB2_17-.Ltmp15, $4  }
0xe9: {  	s30 =	smul.u32 $0x620, s19;
	_ =	swait.ge @!p0 [sflag:s5], $0x6400  }
0xea: {  	s31 =	smul.u32 $0xFFFFF9E0, s19;
	[sflag:s5] =	ssyncset.done @!p0 $0x0  }
0xeb: {  	s22 =	simm.s32 $0x0;
	[sflag:s5] =	ssyncadd.s32 @!p0 $0xFFFF9C00  }
0xec: {  	s20 =	sadd.s32 s0, s31;
	s21 =	sadd.s32 $0x28C, s30;
	[smem:$0x0] =	sst @!p0 s19  }
.LBB2_24:
0xed: {  	s22 =	sadd.s32 $0x1, s22  }
0xee: {  	p0 =	sne.s32 s22, $0x8  }
.Ltmp16:
0xef: {  	_ = 	snop;
	(pc) =	sbr.rel @!p0 .LBB2_25-.Ltmp16, $1  }
0xf0: {  	_ =	sdelay $0x3  }
.LBB2_17:
0xf1: {  	s25 =	sadd.s32 s20, s22  }
0xf2: {  	s0 =	smulhi.u32 $0x5397829D, s25;
	s5 =	sshra.s32 s25, $0x1F  }
0xf3: {  	s5 =	smul.u32 $0x5397829D, s5;
	_ =	sdelay $0x1  }
0xf4: {  	s0 =	sadd.s32 s5, s0  }
0xf5: {  	s5 =	sshrl.u32 s0, $0x1F;
	s0 =	sshra.s32 s0, $0x6  }
0xf6: {  	s26 =	sadd.s32 s5, s0  }
0xf7: {  	s0 =	smul.u32 $0xFFFFFF3C, s26;
	_ =	sdelay $0x1  }
0xf8: {  	s24 =	sadd.s32 s25, s0  }
0xf9: {  	s30 =	sshll.u32 s22, $0x9;
	p1 =	slt.s32 s24, $0x0;
	s0 =	sadd.s32 $0xC4, s24  }
0xfa: {  	s23 =	sshra.s32 s30, $0x2;
	p0 =	sne.s32 s24, $0x0;
	s24 =	smov.u32 @p1 s0  }
0xfb: {  	v4 =	vld [tilespmem:s23+$0xE400];
	s31 =	sshll.u32 s24, $0x9  }
0xfc: {  	v6 =	vld [tilespmem:s23+$0xE410];
	s0 =	sshra.s32 s31, $0x2  }
0xfd: {  	v5 =	vld [tilespmem:s0+$0x200]  }
0xfe: {  	v7 =	vld [tilespmem:s0+$0x210]  }
0xff: {  	v8 =	vld [tilespmem:s23+$0xE420]  }
0x100: {  	v9 =	vld [tilespmem:s0+$0x220]  }
0x101: {  	v10 =	vld [tilespmem:s23+$0xE430]  }
0x102: {  	v11 =	vld [tilespmem:s0+$0x230]  }
0x103: {  	v56 =	vld [tilespmem:s23+$0xE440];
	v4 =	vsub.f32 v4, v5;
	v5 =	vsub.f32 v6, v7  }
0x104: {  	v57 =	vld [tilespmem:s0+$0x240]  }
0x105: {  	v58 =	vld [tilespmem:s23+$0xE450];
	v8 =	vsub.f32 v8, v9;
	v4 =	vand.u32 $0x7FFFFFFF, v4;
	v5 =	vand.u32 $0x7FFFFFFF, v5  }
0x106: {  	v4 =	vadd.f32 v5, v4;
	v5 =	vld [tilespmem:s0+$0x250]  }
0x107: {  	v59 =	vld [tilespmem:s23+$0xE460];
	v10 =	vsub.f32 v10, v11;
	v8 =	vand.u32 $0x7FFFFFFF, v8  }
0x108: {  	v60 =	vld [tilespmem:s0+$0x260];
	v4 =	vadd.f32 v8, v4  }
0x109: {  	v62 =	vld [tilespmem:s23+$0xE470];
	v6 =	vsub.f32 v56, v57;
	v61 =	vand.u32 $0x7FFFFFFF, v10  }
0x10a: {  	v12 =	vld [tilespmem:s0+$0x270];
	v4 =	vadd.f32 v61, v4  }
0x10b: {  	v6 =	vand.u32 $0x7FFFFFFF, v6;
	v5 =	vsub.f32 v58, v5  }
0x10c: {  	v4 =	vadd.f32 v6, v4  }
0x10d: {  	v63 =	vsub.f32 v59, v60;
	v5 =	vand.u32 $0x7FFFFFFF, v5  }
0x10e: {  	v4 =	vadd.f32 v5, v4  }
0x10f: {  	v6 =	vand.u32 $0x7FFFFFFF, v63;
	v5 =	vsub.f32 v62, v12  }
0x110: {  	v4 =	vadd.f32 v6, v4  }
0x111: {  	v5 =	vand.u32 $0x7FFFFFFF, v5  }
0x112: {  	v4 =	vadd.f32 v5, v4;
	_ =	sdelay $0x1  }
0x113: {  	v5 =	vperm.xlane v4, v0;
	_ =	sdelay $0x1  }
0x114: {  	v4 =	vadd.f32 v4, v5;
	_ =	sdelay $0x1  }
0x115: {  	v5 =	vperm.xlane v4, v1;
	_ =	sdelay $0x1  }
0x116: {  	v4 =	vadd.f32 v4, v5;
	_ =	sdelay $0x1  }
0x117: {  	v5 =	vperm.xlane v4, v2;
	_ =	sdelay $0x1  }
0x118: {  	v4 =	vadd.f32 v4, v5;
	_ =	sdelay $0x1  }
0x119: {  	v5 =	vperm.xlane v4, v3;
	_ =	sdelay $0x1  }
0x11a: {  	v4 =	vadd.f32 v4, v5;
	_ =	sdelay $0x1  }
0x11b: {  	(v2sf) =	vpush v4, $0x0;
	_ =	sdelay $0x9  }
0x11c: {  	p6 =	slt.s32 s25, $0x1  }
0x11d: {  	p0 =	por !p6, !p0  }
0x11e: {  	p0 =	por !p0, !p0;
	s0 =	simm.s32 $0x1  }
0x11f: {  	s0 =	simm.s32 @!p0 $0x0  }
0x120: {  	s0 =	ssub.s32 s26, s0  }
0x121: {  	p0 =	seq.s32 s0, $0x3;
	s5 =	spop (v2sf)  }
0x122: {  	p1 =	slt.f32 @!p0 s5, $5.000000000e+01;
	_ =	sdelay $0x1  }
0x123: {  	p0 =	por p0, !p1  }
.Ltmp17:
0x124: {  	_ = 	snop;
	(pc) =	sbr.rel @p0 .LBB2_24-.Ltmp17, $1  }
0x125: {  	_ =	sdelay $0x3  }
0x126: {  	s0 =	sadd.s32 s24, s21  }
0x127: {  	s5 =	sand.u32 $0x7, s0  }
0x128: {  	s6 =	sshra.s32 s0, $0x1F;
	p0 =	slt.s32 s0, $0x1;
	p1 =	sne.s32 s5, $0x0  }
0x129: {  	s29 =	sshrl.u32 s6, $0x1D;
	p0 =	por !p0, !p1  }
0x12a: {  	s6 =	simm.s32 $0x1;
	s5 =	sadd.s32 s29, s0;
	p0 =	por !p0, !p0  }
0x12b: {  	s25 =	simm.s32 $0x0;
	s5 =	sshra.s32 s5, $0x3;
	s6 =	simm.s32 @!p0 $0x0  }
0x12c: {  	s23 =	sadd.s32 $0xE400, s23;
	s30 =	sshll.u32 s0, $0xC;
	s5 =	ssub.s32 s5, s6  }
0x12d: {  	s31 =	sand.u32 $0x7C00, s25;
	s6 =	sshll.u32 s5, $0xC;
	s5 =	sshll.u32 s5, $0xF  }
0x12e: {  	s0 =	sshll.u32 s0, $0x7;
	s6 =	sand.u32 $0x1FFFF000, s6;
	s5 =	ssub.s32 s30, s5  }
0x12f: {  	s0 =	sand.u32 $0x380, s0;
	s6 =	sadd.s32 s1, s6;
	s5 =	sand.u32 $0xFFFF8000, s5  }
0x130: {  	[tilespmem:s13], [sflag:$0x3] =	stream.linear.gather [hbm4b:s6+s25], $0x8000, $0x38;
	[tilespmem:$0x1E400] =	vst v63  }
0x131: {  	s26 =	sand.u32 $0x70, s25;
	s0 =	sor.u32 s0, s5;
	_ =	swait.ge [sflag:s14], $0x8000  }
0x132: {  	s28 =	sadd.s32 s31, s23;
	s24 =	sadd.s32 $0x16400, s0;
	[sflag:s14] =	ssyncset.done $0x0  }
0x133: {  	s6 =	sadd.s32 s26, s28;
	s5 =	sadd.s32 s31, s24;
	[sflag:s14] =	ssyncadd.s32 $0xFFFF8000  }
0x134: {  	s0 =	sadd.s32 s26, s5;
	v4 =	vld [tilespmem:s6+$0x0]  }
0x135: {  	v5 =	vld [tilespmem:s0+$0x0]  }
0x136: {  	s29 =	simm.s32 $0x80  }
0x137: {  	s30 =	simm.s32 $0x10;
	s0 =	sand.u32 $0x7C00, s29  }
0x138: {  	s5 =	sand.u32 $0x70, s30;
	s31 =	sadd.s32 s0, s23;
	s0 =	sadd.s32 s0, s24  }
0x139: {  	s0 =	sadd.s32 s5, s0  }
0x13a: {  	s6 =	sadd.s32 s5, s31;
	v6 =	vld [tilespmem:s0+$0x0];
	v7 =	vsub.f32 v4, v5  }
0x13b: {  	v5 =	vld [tilespmem:s6+$0x0]  }
0x13c: {  	s25 =	simm.s32 $0x20;
	s26 =	simm.s32 $0x100;
	v4 =	vimm.f32 $0.0e+00;
	v7 =	vand.u32 $0x7FFFFFFF, v7  }
.LBB2_19:
0x13d: {  	s0 =	sand.u32 $0x70, s25;
	s5 =	sand.u32 $0x7C00, s26;
	v4 =	vadd.f32 v7, v4;
	p0 =	sne.s32 s25, $0xFF0  }
.Ltmp18:
0x13e: {  	s25 =	sadd.s32 $0x10, s25;
	s6 =	sadd.s32 s5, s23;
	(pc) =	sbr.rel @p0 .LBB2_19-.Ltmp18, $4  }
0x13f: {  	s5 =	sadd.s32 s5, s24;
	s6 =	sadd.s32 s0, s6  }
0x140: {  	s0 =	sadd.s32 s0, s5;
	v7 =	vsub.f32 v5, v6;
	v5 =	vld [tilespmem:s6+$0x0]  }
0x141: {  	v6 =	vld [tilespmem:s0+$0x0]  }
0x142: {  	s26 =	sadd.s32 $0x80, s26;
	v7 =	vand.u32 $0x7FFFFFFF, v7  }
0x143: {  	_ =	sdelay $0x2  }
0x144: {  	v5 =	vsub.f32 v5, v6  }
0x145: {  	v4 =	vadd.f32 v7, v4  }
0x146: {  	v5 =	vand.u32 $0x7FFFFFFF, v5  }
0x147: {  	v4 =	vadd.f32 v5, v4;
	_ =	sdelay $0x1  }
0x148: {  	v5 =	vperm.xlane v4, v0;
	_ =	sdelay $0x1  }
0x149: {  	v4 =	vadd.f32 v5, v4;
	_ =	sdelay $0x1  }
0x14a: {  	v5 =	vperm.xlane v4, v1;
	_ =	sdelay $0x1  }
0x14b: {  	v4 =	vadd.f32 v5, v4;
	_ =	sdelay $0x1  }
0x14c: {  	v5 =	vperm.xlane v4, v2;
	_ =	sdelay $0x1  }
0x14d: {  	v4 =	vadd.f32 v5, v4;
	_ =	sdelay $0x1  }
0x14e: {  	v5 =	vperm.xlane v4, v3;
	_ =	sdelay $0x1  }
0x14f: {  	v4 =	vadd.f32 v5, v4;
	_ =	sdelay $0x1  }
0x150: {  	(v2sf) =	vpush v4, $0x0;
	_ =	sdelay $0xe  }
0x151: {  	s0 =	spop (v2sf)  }
0x152: {  	p0 =	slt.f32 s0, $5.000000000e+01  }
.Ltmp19:
0x153: {  	_ = 	snop;
	(pc) =	sbr.rel @!p0 .LBB2_24-.Ltmp19, $2  }
0x154: {  	_ =	sdelay $0x2  }
0x155: {  	s25 =	simm.s32 $0x0  }
0x156: {  	s29 =	sand.u32 $0x7C00, s25  }
0x157: {  	s25 =	sand.u32 $0x70, s25;
	s0 =	sadd.s32 s29, s24  }
0x158: {  	s0 =	sadd.s32 s25, s0  }
0x159: {  	v4 =	vld [tilespmem:s0+$0x0]  }
0x15a: {  	s26 =	simm.s32 $0x10;
	s28 =	simm.s32 $0x80  }
.LBB2_22:
0x15b: {  	s0 =	sand.u32 $0x7C00, s28;
	s5 =	smov.u32 s26;
	p0 =	sne.s32 s26, $0xFF0  }
.Ltmp20:
0x15c: {  	s26 =	sadd.s32 $0x10, s26;
	s6 =	sadd.s32 s29, s23;
	(pc) =	sbr.rel @p0 .LBB2_22-.Ltmp20, $4  }
0x15d: {  	s29 =	sadd.s32 s0, s24;
	s6 =	sadd.s32 s25, s6;
	s25 =	sand.u32 $0x70, s5  }
0x15e: {  	s5 =	sadd.s32 s25, s29;
	s29 =	smov.u32 s0;
	[tilespmem:s6+$0x0] =	vst v4  }
0x15f: {  	v4 =	vld [tilespmem:s5+$0x0]  }
0x160: {  	s28 =	sadd.s32 $0x80, s28  }
.Ltmp21:
0x161: {  	(pc) =	sbr.rel .LBB2_24-.Ltmp21, $4  }
0x162: {  	_ = 	snop  }
0x163: {  	s0 =	sadd.s32 s29, s23  }
0x164: {  	s0 =	sadd.s32 s25, s0  }
0x165: {  	[tilespmem:s0+$0x0] =	vst v4  }
.LBB2_29:
0x166: {  	_ =	sfence.sel $0x180000  }
0x167: {  	[bflag:$0x0] =	sbarrier.arrive $0xFFFF  }
0x168: {  	_ =	strace $0x90000047  }
0x169: {  	s0 =	stileid.u32;
	[bflag:$0x2] =	sbarrier.arrive $0xFFFF  }
0x16a: {  	p0 =	sne.s32 s0, $0x0;
	s0 =	rddreg [dreg:$0x2]  }
0x16b: {  	s0 =	sadd.s32 @!p0 $0x100000, s0  }
0x16c: {  	[sflag:s0] =	ssyncadd.tile.s32 @!p0 $0x1;
	_ =	shalt  }
.Lfunc_end2:
_tile_overlayer_lowered:
.L_overlay_start_2:
0x16d: {  	(tag) =	ssettag $0x2  }
0x16e: {  	s0 =	rddreg [dreg:$0x0];
	s2 =	stileid.u32  }
0x16f: {  	s1 =	rddreg [dreg:$0x1];
	p0 =	sne.s32 s2, $0x0  }
0x170: {  	s3 =	rddreg [dreg:$0x2];
	[bflag:$0x3] =	sbarrier.arrive $0xFFFF;
	s2 =	simm.s32 @!p0 $0x1C04  }
0x171: {  	[timem:s3], [sflag:s2] =	dma.local @!p0 [hbm:s0], s1  }
0x172: {  	s0 =	simm.s32 @!p0 $0x4  }
0x173: {  	_ =	swait.ge @!p0 [sflag:s0], s1  }
0x174: {  	s1 =	ssub.s32 @!p0 $0x0, s1;
	[sflag:s0] =	ssyncset.done @!p0 $0x0  }
0x175: {  	[sflag:s0] =	ssyncadd.s32 @!p0 s1  }
0x176: {  	[bflag:$0x3] =	sbarrier.arrive $0xFFFF  }
0x177: {  	_ =	shalt  }

</sc_bundles>
